<compile_context>
chip_gen: v7x
topology: tpu7x:2x2x1
jax: 0.10.2.dev20260603
libtpu: 0.0.44.dev20260713+nightly
codegen_flags: <defaults>
</compile_context>

<pallas_src>
import functools

import jax
import jax.numpy as jnp
from jax import lax
from jax.experimental import pallas as pl
from jax.experimental.pallas import tpu as pltpu
from jax.experimental.pallas import tpu_sc as plsc

N_NODES = 100000
N_FEAT = 128
N_SEG = 512
NC = 2
NS = 16
NW = NC * NS
KROWS = 80
NB = N_NODES // KROWS
NB_LO = NB // NW
NB_EXTRA = NB - NB_LO * NW
NB_MAX = NB_LO + 1
CHUNK_MAX = NB_MAX * KROWS
B_PAD = NW * CHUNK_MAX


def _sc_partials(x, batch):
    mesh = plsc.VectorSubcoreMesh(core_axis_name="c", subcore_axis_name="s")

    @functools.partial(
        pl.kernel,
        out_type=(
            jax.ShapeDtypeStruct((NC, N_SEG, N_FEAT), jnp.float32),
            jax.ShapeDtypeStruct((NC * N_SEG,), jnp.float32),
        ),
        mesh=mesh,
        scratch_types=[
            pltpu.VMEM((CHUNK_MAX,), jnp.int32),
            pltpu.VMEM((2, KROWS, N_FEAT), jnp.float32),
            pltpu.VMEM((N_SEG // NS, N_FEAT), jnp.float32),
            pltpu.VMEM((N_SEG // NS,), jnp.float32),
            pltpu.VMEM((KROWS,), jnp.float32),
            pltpu.VMEM_SHARED((N_SEG, N_FEAT), jnp.float32),
            pltpu.VMEM_SHARED((N_SEG,), jnp.float32),
            pltpu.SemaphoreType.DMA,
            pltpu.SemaphoreType.DMA,
            pltpu.SemaphoreType.DMA,
            pltpu.SemaphoreType.DMA,
            pltpu.SemaphoreType.DMA,
        ],
    )
    def k(x_hbm, b_hbm, psum_hbm, pcnt_hbm,
          idx_all, rows_v, zsum_v, zcnt_v, ones_v, acc_s, cnt_s,
          sem0, sem1, ssem0, ssem1, sema):
        cid = lax.axis_index("c")
        sid = lax.axis_index("s")
        wid = sid * NC + cid

        nblk = jnp.where(wid < NB_EXTRA, NB_LO + 1, NB_LO)
        bstart = NB_LO * wid + jnp.minimum(wid, NB_EXTRA)

        def load_block(bj, buf):
            r = (bstart + bj) * KROWS
            sem = sem0 if buf == 0 else sem1
            pltpu.async_copy(x_hbm.at[pl.ds(r, KROWS)], rows_v.at[buf], sem)

        pltpu.async_copy(
            b_hbm.at[pl.ds(bstart * KROWS, CHUNK_MAX)], idx_all, sema)
        load_block(0, 0)

        def init_ones(i, _):
            ones_v[pl.ds(i * 16, 16)] = jnp.ones((16,), jnp.float32)
            return _
        lax.fori_loop(0, KROWS // 16, init_ones, None)

        rows_per = N_SEG // NS

        def init_zsum(i, _):
            r = i // (N_FEAT // 16)
            c = i % (N_FEAT // 16)
            zsum_v[r, pl.ds(c * 16, 16)] = jnp.zeros((16,), jnp.float32)
            return _
        lax.fori_loop(0, rows_per * (N_FEAT // 16), init_zsum, None)

        def init_zcnt(i, _):
            zcnt_v[pl.ds(i * 16, 16)] = jnp.zeros((16,), jnp.float32)
            return _
        lax.fori_loop(0, rows_per // 16, init_zcnt, None)

        pltpu.sync_copy(zsum_v, acc_s.at[pl.ds(sid * rows_per, rows_per)])
        pltpu.sync_copy(zcnt_v, cnt_s.at[pl.ds(sid * rows_per, rows_per)])

        pltpu.make_async_copy(
            b_hbm.at[pl.ds(0, CHUNK_MAX)], idx_all, sema).wait()

        plsc.subcore_barrier()

        def wait_scatter(buf):
            ssem = ssem0 if buf == 0 else ssem1
            ix = idx_all.at[pl.ds(0, KROWS)]
            pltpu.make_async_copy(rows_v.at[buf], acc_s.at[ix], ssem).wait()
            pltpu.make_async_copy(ones_v, cnt_s.at[ix], ssem).wait()

        def issue_scatter(j, buf):
            sem = sem0 if buf == 0 else sem1
            ssem = ssem0 if buf == 0 else ssem1
            pltpu.make_async_copy(
                x_hbm.at[pl.ds(0, KROWS)], rows_v.at[buf], sem).wait()
            ix = idx_all.at[pl.ds(j * KROWS, KROWS)]
            pltpu.async_copy(rows_v.at[buf], acc_s.at[ix], ssem, add=True)
            pltpu.async_copy(ones_v, cnt_s.at[ix], ssem, add=True)

        def body(j, _):
            @pl.when(j + 1 < nblk)
            def _():
                @pl.when(lax.rem(j, 2) == 0)
                def _():
                    @pl.when(j >= 1)
                    def _():
                        wait_scatter(1)
                    load_block(j + 1, 1)

                @pl.when(lax.rem(j, 2) == 1)
                def _():
                    wait_scatter(0)
                    load_block(j + 1, 0)

            @pl.when(lax.rem(j, 2) == 0)
            def _():
                issue_scatter(j, 0)

            @pl.when(lax.rem(j, 2) == 1)
            def _():
                issue_scatter(j, 1)
            return _
        lax.fori_loop(0, nblk, body, None)

        @pl.when(lax.rem(nblk - 1, 2) == 0)
        def _():
            wait_scatter(1)
            wait_scatter(0)

        @pl.when(lax.rem(nblk - 1, 2) == 1)
        def _():
            wait_scatter(0)
            wait_scatter(1)

        plsc.subcore_barrier()

        @pl.when(sid == 0)
        def _():
            pltpu.sync_copy(acc_s, psum_hbm.at[cid])
            pltpu.sync_copy(cnt_s, pcnt_hbm.at[pl.ds(cid * N_SEG, N_SEG)])

    return k(x, batch)


def _merge_body(psum_ref, pcnt_ref, out_ref):
    sums = psum_ref[0] + psum_ref[1]
    counts = pcnt_ref[0] + pcnt_ref[1]
    out_ref[...] = sums / jnp.maximum(counts, 1.0)[:, None]


def _merge(psum, pcnt):
    blk = 256
    grid = N_SEG // blk
    return pl.pallas_call(
        _merge_body,
        grid=(grid,),
        in_specs=[
            pl.BlockSpec((NC, blk, N_FEAT), lambda i: (0, i, 0)),
            pl.BlockSpec((NC, blk), lambda i: (0, i)),
        ],
        out_specs=pl.BlockSpec((blk, N_FEAT), lambda i: (i, 0)),
        out_shape=jax.ShapeDtypeStruct((N_SEG, N_FEAT), jnp.float32),
    )(psum, pcnt)


@jax.jit
def kernel(x, batch):
    b_pad = jnp.pad(batch.astype(jnp.int32), (0, B_PAD - N_NODES))
    psum, pcnt = _sc_partials(x, b_pad)
    return _merge(psum, pcnt.reshape(NC, N_SEG))

# --- scband reference (transcript-rebuilt; emitter-appended) ---
"""Pipeline reference for scband-gnnpool-28235115004169 (READ-ONLY COPY).

The authoritative reference and input builder live on the scoring server;
editing this copy changes nothing except your own understanding.
"""

import jax, jax.numpy as jnp
import numpy as np

NUM_SEGMENTS = 512

def setup_inputs(seed: int = 0) -> dict:
    key = jax.random.key(seed)
    k1, k2 = jax.random.split(key)
    x = jax.random.normal(k1, (100000, 128), dtype=jnp.float32)
    batch = jnp.sort(jax.random.randint(k2, (100000,), 0, NUM_SEGMENTS, dtype=jnp.int64))
    return {"x": x, "batch": batch}

def reference(x, batch):
    # global_mean_pool: per-graph mean of node features (segment mean)
    sums = jax.ops.segment_sum(x, batch, num_segments=NUM_SEGMENTS)
    counts = jax.ops.segment_sum(jnp.ones((x.shape[0],), dtype=x.dtype), batch, num_segments=NUM_SEGMENTS)
    counts = jnp.clip(counts, 1.0, None)
    return sums / counts[:, None]

if __name__ == "__main__":
    import jax
    _d = setup_inputs()
    print(jax.jit(kernel)(*tuple(_d.values())))

</pallas_src>

<mosaic_0001>
#map = affine_map<(d0, d1) -> (0, 0)>
#map1 = affine_map<(d0, d1) -> (0)>
#map2 = affine_map<(d0, d1) -> (0, 0, 0)>
module attributes {stable_mosaic.version = 14 : i64} {
  func.func @k(%arg0: i32, %arg1: i32, %arg2: memref<100000x128xf32, #tpu.memory_space<hbm>>, %arg3: memref<102400xi32, #tpu.memory_space<hbm>>, %arg4: memref<2x512x128xf32, #tpu.memory_space<hbm>>, %arg5: memref<1024xf32, #tpu.memory_space<hbm>>, %arg6: memref<3200xi32, #tpu.memory_space<vmem>>, %arg7: memref<2x80x128xf32, #tpu.memory_space<vmem>>, %arg8: memref<32x128xf32, #tpu.memory_space<vmem>>, %arg9: memref<32xf32, #tpu.memory_space<vmem>>, %arg10: memref<80xf32, #tpu.memory_space<vmem>>, %arg11: memref<512x128xf32, #tpu.memory_space<vmem_shared>>, %arg12: memref<512xf32, #tpu.memory_space<vmem_shared>>, %arg13: memref<!tpu.dma_semaphore, #tpu.memory_space<semaphore_mem>>, %arg14: memref<!tpu.dma_semaphore, #tpu.memory_space<semaphore_mem>>, %arg15: memref<!tpu.dma_semaphore, #tpu.memory_space<semaphore_mem>>, %arg16: memref<!tpu.dma_semaphore, #tpu.memory_space<semaphore_mem>>, %arg17: memref<!tpu.dma_semaphore, #tpu.memory_space<semaphore_mem>>) attributes {dimension_semantics = [#tpu.dimension_semantics<core_parallel>, #tpu.dimension_semantics<subcore_parallel>], iteration_bounds = array<i64: 2, 16>, scalar_prefetch = 0 : i64, scratch_operands = 12 : i64, tpu.core_type = #tpu.core_type<sc_vector_subcore>, window_params = [{transform_indices = #map}, {transform_indices = #map1}, {transform_indices = #map2}, {transform_indices = #map1}]} {
    %mul3A = arith.constant 2 : i32
    %mul3A_0 = arith.muli %arg1, %mul3A : i32
    %add3A = arith.addi %mul3A_0, %arg0 : i32
    %lt3A = arith.constant 2 : i32
    %lt3A_1 = arith.cmpi slt, %add3A, %lt3A : i32
    %jit3A = arith.constant 40 : i32
    %jit3A_2 = arith.constant 39 : i32
    %select_n3A = arith.select %lt3A_1, %jit3A, %jit3A_2 : i32
    %mul3A_3 = arith.constant 39 : i32
    %mul3A_4 = arith.muli %mul3A_3, %add3A : i32
    %min3A = arith.constant 2 : i32
    %min3A_5 = arith.minsi %add3A, %min3A : i32
    %add3A_6 = arith.addi %mul3A_4, %min3A_5 : i32
    %mul3A_7 = arith.constant 80 : i32
    %mul3A_8 = arith.muli %add3A_6, %mul3A_7 : i32
    %dma_start3A = tpu.memref_slice %arg3[%mul3A_8] : memref<102400xi32, #tpu.memory_space<hbm>> -> memref<3200xi32, #tpu.memory_space<hbm>>
    %dma_start3A_9 = tpu.memref_slice %arg3[%mul3A_8] : memref<102400xi32, #tpu.memory_space<hbm>> -> memref<3200xi32, #tpu.memory_space<hbm>>
    tpu.enqueue_dma source(%dma_start3A_9 : memref<3200xi32, #tpu.memory_space<hbm>>) target(%arg6 : memref<3200xi32, #tpu.memory_space<vmem>>) target_semaphore(%arg17 : memref<!tpu.dma_semaphore, #tpu.memory_space<semaphore_mem>>)
    %add3A_10 = arith.constant 0 : i32
    %add3A_11 = arith.addi %add3A_6, %add3A_10 : i32
    %mul3A_12 = arith.constant 80 : i32
    %mul3A_13 = arith.muli %add3A_11, %mul3A_12 : i32
    %dma_start3A_14 = arith.constant 0 : i32
    %dma_start3A_15 = arith.constant 0 : i32
    %dma_start3A_16 = arith.constant 0 : i32
    %dma_start3A_17 = tpu.memref_slice %arg7[%dma_start3A_14, %dma_start3A_15, %dma_start3A_16] : memref<2x80x128xf32, #tpu.memory_space<vmem>> -> memref<1x80x128xf32, #tpu.memory_space<vmem>>
    %dma_start3A_18 = tpu.memref_squeeze %dma_start3A_17 : memref<1x80x128xf32, #tpu.memory_space<vmem>> -> memref<80x128xf32, #tpu.memory_space<vmem>>
    %dma_start3A_19 = arith.constant 0 : i32
    %dma_start3A_20 = tpu.memref_slice %arg2[%mul3A_13, %dma_start3A_19] : memref<100000x128xf32, #tpu.memory_space<hbm>> -> memref<80x128xf32, #tpu.memory_space<hbm>>
    %dma_start3A_21 = arith.constant 0 : i32
    %dma_start3A_22 = arith.constant 0 : i32
    %dma_start3A_23 = tpu.memref_slice %arg7[%dma_start3A_14, %dma_start3A_21, %dma_start3A_22] : memref<2x80x128xf32, #tpu.memory_space<vmem>> -> memref<1x80x128xf32, #tpu.memory_space<vmem>>
    %dma_start3A_24 = tpu.memref_squeeze %dma_start3A_23 : memref<1x80x128xf32, #tpu.memory_space<vmem>> -> memref<80x128xf32, #tpu.memory_space<vmem>>
    %dma_start3A_25 = arith.constant 0 : i32
    %dma_start3A_26 = tpu.memref_slice %arg2[%mul3A_13, %dma_start3A_25] : memref<100000x128xf32, #tpu.memory_space<hbm>> -> memref<80x128xf32, #tpu.memory_space<hbm>>
    tpu.enqueue_dma source(%dma_start3A_26 : memref<80x128xf32, #tpu.memory_space<hbm>>) target(%dma_start3A_24 : memref<80x128xf32, #tpu.memory_space<vmem>>) target_semaphore(%arg13 : memref<!tpu.dma_semaphore, #tpu.memory_space<semaphore_mem>>)
    %scan3A = arith.constant 0 : i32
    %scan3A_27 = arith.constant 5 : i32
    %scan3A_28 = arith.addi %scan3A, %scan3A_27 : i32
    %scan3A_29 = arith.constant 1 : i32
    scf.for %scan3A_75 = %scan3A to %scan3A_28 step %scan3A_29  : i32 {
      %broadcast_in_dim3A = arith.constant 1.000000e+00 : f32
      %broadcast_in_dim3A_76 = vector.broadcast %broadcast_in_dim3A : f32 to vector<16xf32>
      %mul3A_77 = arith.constant 16 : i32
      %mul3A_78 = arith.muli %scan3A_75, %mul3A_77 : i32
      %swap3A = arith.index_cast %mul3A_78 : i32 to index
      %swap3A_79 = tpu.vector_load %arg10[%swap3A] {strides = array<i32>} : memref<80xf32, #tpu.memory_space<vmem>>, vector<16xf32>,
      %swap3A_80 = vector.shape_cast %swap3A_79 : vector<16xf32> to vector<16xf32>
      %swap3A_81 = vector.shape_cast %broadcast_in_dim3A_76 : vector<16xf32> to vector<16xf32>
      tpu.vector_store %arg10[%swap3A], %swap3A_81 {strides = array<i32>} : memref<80xf32, #tpu.memory_space<vmem>>, vector<16xf32>,
    }
    %scan3A_30 = arith.constant 5 : i32
    %scan3A_31 = arith.constant 0 : i32
    %scan3A_32 = arith.constant 256 : i32
    %scan3A_33 = arith.addi %scan3A_31, %scan3A_32 : i32
    %scan3A_34 = arith.constant 1 : i32
    scf.for %scan3A_75 = %scan3A_31 to %scan3A_33 step %scan3A_34  : i32 {
      %jit3A_76 = arith.constant 8 : i32
      %div3A = arith.divsi %scan3A_75, %jit3A_76 : i32
      %sign3A = arith.constant 0 : i32
      %sign3A_77 = arith.cmpi sgt, %scan3A_75, %sign3A : i32
      %sign3A_78 = arith.extui %sign3A_77 : i1 to i32
      %sign3A_79 = arith.constant 0 : i32
      %sign3A_80 = arith.cmpi slt, %scan3A_75, %sign3A_79 : i32
      %sign3A_81 = arith.extui %sign3A_80 : i1 to i32
      %sign3A_82 = arith.subi %sign3A_78, %sign3A_81 : i32
      %sign3A_83 = arith.constant 0 : i32
      %sign3A_84 = arith.cmpi sgt, %jit3A_76, %sign3A_83 : i32
      %sign3A_85 = arith.extui %sign3A_84 : i1 to i32
      %sign3A_86 = arith.constant 0 : i32
      %sign3A_87 = arith.cmpi slt, %jit3A_76, %sign3A_86 : i32
      %sign3A_88 = arith.extui %sign3A_87 : i1 to i32
      %sign3A_89 = arith.subi %sign3A_85, %sign3A_88 : i32
      %ne3A = arith.cmpi ne, %sign3A_82, %sign3A_89 : i32
      %rem3A_90 = arith.remsi %scan3A_75, %jit3A_76 : i32
      %ne3A_91 = arith.constant 0 : i32
      %ne3A_92 = arith.cmpi ne, %rem3A_90, %ne3A_91 : i32
      %and3A = arith.andi %ne3A, %ne3A_92 : i1
      %sub3A_93 = arith.constant 1 : i32
      %sub3A_94 = arith.subi %div3A, %sub3A_93 : i32
      %select_n3A_95 = arith.select %and3A, %sub3A_94, %div3A : i32
      %jit3A_96 = arith.constant 8 : i32
      %eq3A_97 = arith.constant 0 : i32
      %eq3A_98 = arith.cmpi eq, %jit3A_96, %eq3A_97 : i32
      %jit3A_99 = arith.constant 1 : i32
      %select_n3A_100 = arith.select %eq3A_98, %jit3A_99, %jit3A_96 : i32
      %rem3A_101 = arith.remsi %scan3A_75, %select_n3A_100 : i32
      %ne3A_102 = arith.constant 0 : i32
      %ne3A_103 = arith.cmpi ne, %rem3A_101, %ne3A_102 : i32
      %lt3A_104 = arith.constant 0 : i32
      %lt3A_105 = arith.cmpi slt, %rem3A_101, %lt3A_104 : i32
      %lt3A_106 = arith.constant 0 : i32
      %lt3A_107 = arith.cmpi slt, %select_n3A_100, %lt3A_106 : i32
      %ne3A_108 = arith.xori %lt3A_105, %lt3A_107 : i1
      %and3A_109 = arith.andi %ne3A_108, %ne3A_103 : i1
      %add3A_110 = arith.addi %rem3A_101, %select_n3A_100 : i32
      %select_n3A_111 = arith.select %and3A_109, %add3A_110, %rem3A_101 : i32
      %broadcast_in_dim3A = arith.constant 0.000000e+00 : f32
      %broadcast_in_dim3A_112 = vector.broadcast %broadcast_in_dim3A : f32 to vector<16xf32>
      %mul3A_113 = arith.constant 16 : i32
      %mul3A_114 = arith.muli %select_n3A_111, %mul3A_113 : i32
      %swap3A = arith.index_cast %select_n3A_95 : i32 to index
      %swap3A_115 = arith.index_cast %mul3A_114 : i32 to index
      %swap3A_116 = tpu.vector_load %arg8[%swap3A, %swap3A_115] {strides = array<i32>} : memref<32x128xf32, #tpu.memory_space<vmem>>, vector<1x16xf32>,
      %swap3A_117 = vector.shape_cast %swap3A_116 : vector<1x16xf32> to vector<16xf32>
      %swap3A_118 = vector.shape_cast %broadcast_in_dim3A_112 : vector<16xf32> to vector<1x16xf32>
      tpu.vector_store %arg8[%swap3A, %swap3A_115], %swap3A_118 {strides = array<i32>} : memref<32x128xf32, #tpu.memory_space<vmem>>, vector<1x16xf32>,
    }
    %scan3A_35 = arith.constant 256 : i32
    %scan3A_36 = arith.constant 0 : i32
    %scan3A_37 = arith.constant 2 : i32
    %scan3A_38 = arith.addi %scan3A_36, %scan3A_37 : i32
    %scan3A_39 = arith.constant 1 : i32
    scf.for %scan3A_75 = %scan3A_36 to %scan3A_38 step %scan3A_39  : i32 {
      %broadcast_in_dim3A = arith.constant 0.000000e+00 : f32
      %broadcast_in_dim3A_76 = vector.broadcast %broadcast_in_dim3A : f32 to vector<16xf32>
      %mul3A_77 = arith.constant 16 : i32
      %mul3A_78 = arith.muli %scan3A_75, %mul3A_77 : i32
      %swap3A = arith.index_cast %mul3A_78 : i32 to index
      %swap3A_79 = tpu.vector_load %arg9[%swap3A] {strides = array<i32>} : memref<32xf32, #tpu.memory_space<vmem>>, vector<16xf32>,
      %swap3A_80 = vector.shape_cast %swap3A_79 : vector<16xf32> to vector<16xf32>
      %swap3A_81 = vector.shape_cast %broadcast_in_dim3A_76 : vector<16xf32> to vector<16xf32>
      tpu.vector_store %arg9[%swap3A], %swap3A_81 {strides = array<i32>} : memref<32xf32, #tpu.memory_space<vmem>>, vector<16xf32>,
    }
    %scan3A_40 = arith.constant 2 : i32
    %mul3A_41 = arith.constant 32 : i32
    %mul3A_42 = arith.muli %arg1, %mul3A_41 : i32
    "tpu.region"() ({
      %run_scoped3A = tpu.sem_alloc : memref<!tpu.dma_semaphore, #tpu.memory_space<semaphore_mem>>
      %dma_start3A_75 = arith.constant 0 : i32
      %dma_start3A_76 = tpu.memref_slice %arg11[%mul3A_42, %dma_start3A_75] : memref<512x128xf32, #tpu.memory_space<vmem_shared>> -> memref<32x128xf32, #tpu.memory_space<vmem_shared>>
      %dma_start3A_77 = arith.constant 0 : i32
      %dma_start3A_78 = tpu.memref_slice %arg11[%mul3A_42, %dma_start3A_77] : memref<512x128xf32, #tpu.memory_space<vmem_shared>> -> memref<32x128xf32, #tpu.memory_space<vmem_shared>>
      tpu.enqueue_dma source(%arg8 : memref<32x128xf32, #tpu.memory_space<vmem>>) target(%dma_start3A_78 : memref<32x128xf32, #tpu.memory_space<vmem_shared>>) target_semaphore(%run_scoped3A : memref<!tpu.dma_semaphore, #tpu.memory_space<semaphore_mem>>)
      %dma_wait3A_79 = arith.constant 0 : i32
      %dma_wait3A_80 = tpu.memref_slice %arg11[%mul3A_42, %dma_wait3A_79] : memref<512x128xf32, #tpu.memory_space<vmem_shared>> -> memref<32x128xf32, #tpu.memory_space<vmem_shared>>
      %dma_wait3A_81 = arith.constant 0 : i32
      %dma_wait3A_82 = tpu.memref_slice %arg11[%mul3A_42, %dma_wait3A_81] : memref<512x128xf32, #tpu.memory_space<vmem_shared>> -> memref<32x128xf32, #tpu.memory_space<vmem_shared>>
      tpu.wait_dma2 semaphore(%run_scoped3A : memref<!tpu.dma_semaphore, #tpu.memory_space<semaphore_mem>>) src(%arg8 : memref<32x128xf32, #tpu.memory_space<vmem>>) dst(%dma_wait3A_82 : memref<32x128xf32, #tpu.memory_space<vmem_shared>>)
      tpu.yield
    }) : () -> ()
    %mul3A_43 = arith.constant 32 : i32
    %mul3A_44 = arith.muli %arg1, %mul3A_43 : i32
    "tpu.region"() ({
      %run_scoped3A = tpu.sem_alloc : memref<!tpu.dma_semaphore, #tpu.memory_space<semaphore_mem>>
      %dma_start3A_75 = tpu.memref_slice %arg12[%mul3A_44] : memref<512xf32, #tpu.memory_space<vmem_shared>> -> memref<32xf32, #tpu.memory_space<vmem_shared>>
      %dma_start3A_76 = tpu.memref_slice %arg12[%mul3A_44] : memref<512xf32, #tpu.memory_space<vmem_shared>> -> memref<32xf32, #tpu.memory_space<vmem_shared>>
      tpu.enqueue_dma source(%arg9 : memref<32xf32, #tpu.memory_space<vmem>>) target(%dma_start3A_76 : memref<32xf32, #tpu.memory_space<vmem_shared>>) target_semaphore(%run_scoped3A : memref<!tpu.dma_semaphore, #tpu.memory_space<semaphore_mem>>)
      %dma_wait3A_77 = tpu.memref_slice %arg12[%mul3A_44] : memref<512xf32, #tpu.memory_space<vmem_shared>> -> memref<32xf32, #tpu.memory_space<vmem_shared>>
      %dma_wait3A_78 = tpu.memref_slice %arg12[%mul3A_44] : memref<512xf32, #tpu.memory_space<vmem_shared>> -> memref<32xf32, #tpu.memory_space<vmem_shared>>
      tpu.wait_dma2 semaphore(%run_scoped3A : memref<!tpu.dma_semaphore, #tpu.memory_space<semaphore_mem>>) src(%arg9 : memref<32xf32, #tpu.memory_space<vmem>>) dst(%dma_wait3A_78 : memref<32xf32, #tpu.memory_space<vmem_shared>>)
      tpu.yield
    }) : () -> ()
    %dma_wait3A = arith.constant 0 : i32
    %dma_wait3A_45 = tpu.memref_slice %arg3[%dma_wait3A] : memref<102400xi32, #tpu.memory_space<hbm>> -> memref<3200xi32, #tpu.memory_space<hbm>>
    %dma_wait3A_46 = arith.constant 0 : i32
    %dma_wait3A_47 = tpu.memref_slice %arg3[%dma_wait3A_46] : memref<102400xi32, #tpu.memory_space<hbm>> -> memref<3200xi32, #tpu.memory_space<hbm>>
    tpu.wait_dma2 semaphore(%arg17 : memref<!tpu.dma_semaphore, #tpu.memory_space<semaphore_mem>>) src(%dma_wait3A_47 : memref<3200xi32, #tpu.memory_space<hbm>>) dst(%arg6 : memref<3200xi32, #tpu.memory_space<vmem>>)
    %barrier3A = arith.constant 0 : index
    tpu.barrier barrier_id(%barrier3A)
    %while3A = arith.constant 0 : i32
    %while3A_48 = arith.subi %select_n3A, %while3A : i32
    %while3A_49 = arith.addi %while3A, %while3A_48 : i32
    %while3A_50 = arith.constant 1 : i32
    %while3A_51 = arith.divsi %while3A_48, %while3A_50 : i32
    %while3A_52 = arith.muli %while3A_51, %while3A_50 : i32
    %while3A_53 = arith.addi %while3A, %while3A_52 : i32
    %while3A_54 = arith.constant 1 : i32
    scf.for %while3A_75 = %while3A to %while3A_53 step %while3A_54  : i32 {
      %add3A_76 = arith.constant 1 : i32
      %add3A_77 = arith.addi %while3A_75, %add3A_76 : i32
      %lt3A_78 = arith.cmpi slt, %add3A_77, %select_n3A : i32
      %convert_element_type3A_79 = arith.extui %lt3A_78 : i1 to i32
      %cond3A_80 = arith.constant 0 : i32
      %cond3A_81 = arith.cmpi ne, %convert_element_type3A_79, %cond3A_80 : i32
      scf.if %cond3A_81 {
        %rem3A_96 = arith.constant 2 : i32
        %rem3A_97 = arith.remsi %while3A_75, %rem3A_96 : i32
        %eq3A_98 = arith.constant 0 : i32
        %eq3A_99 = arith.cmpi eq, %rem3A_97, %eq3A_98 : i32
        %convert_element_type3A_100 = arith.extui %eq3A_99 : i1 to i32
        %cond3A_101 = arith.constant 0 : i32
        %cond3A_102 = arith.cmpi ne, %convert_element_type3A_100, %cond3A_101 : i32
        scf.if %cond3A_102 {
          %ge3A = arith.constant 1 : i32
          %ge3A_110 = arith.cmpi sge, %while3A_75, %ge3A : i32
          %convert_element_type3A_111 = arith.extui %ge3A_110 : i1 to i32
          %cond3A_112 = arith.constant 0 : i32
          %cond3A_113 = arith.cmpi ne, %convert_element_type3A_111, %cond3A_112 : i32
          scf.if %cond3A_113 {
            %dma_wait3A_132 = arith.constant 1 : i32
            %dma_wait3A_133 = arith.constant 0 : i32
            %dma_wait3A_134 = arith.constant 0 : i32
            %dma_wait3A_135 = tpu.memref_slice %arg7[%dma_wait3A_132, %dma_wait3A_133, %dma_wait3A_134] : memref<2x80x128xf32, #tpu.memory_space<vmem>> -> memref<1x80x128xf32, #tpu.memory_space<vmem>>
            %dma_wait3A_136 = tpu.memref_squeeze %dma_wait3A_135 : memref<1x80x128xf32, #tpu.memory_space<vmem>> -> memref<80x128xf32, #tpu.memory_space<vmem>>
            %dma_wait3A_137 = arith.constant 0 : i32
            %dma_wait3A_138 = tpu.memref_slice %arg6[%dma_wait3A_137] : memref<3200xi32, #tpu.memory_space<vmem>> -> memref<80xi32, #tpu.memory_space<vmem>>
            %dma_wait3A_139 = arith.constant 0 : i32
            %dma_wait3A_140 = arith.constant 0 : i32
            %dma_wait3A_141 = tpu.memref_slice %arg11[%dma_wait3A_139, %dma_wait3A_140] : memref<512x128xf32, #tpu.memory_space<vmem_shared>> -> memref<512x128xf32, #tpu.memory_space<vmem_shared>>
            tpu.wait_indirect_dma semaphore(%arg16 : memref<!tpu.dma_semaphore, #tpu.memory_space<semaphore_mem>>) src(%dma_wait3A_136 : memref<80x128xf32, #tpu.memory_space<vmem>>) dst(%dma_wait3A_141 : memref<512x128xf32, #tpu.memory_space<vmem_shared>>)
            %dma_wait3A_142 = arith.constant 0 : i32
            %dma_wait3A_143 = tpu.memref_slice %arg6[%dma_wait3A_142] : memref<3200xi32, #tpu.memory_space<vmem>> -> memref<80xi32, #tpu.memory_space<vmem>>
            %dma_wait3A_144 = arith.constant 0 : i32
            %dma_wait3A_145 = tpu.memref_slice %arg12[%dma_wait3A_144] : memref<512xf32, #tpu.memory_space<vmem_shared>> -> memref<512xf32, #tpu.memory_space<vmem_shared>>
            tpu.wait_indirect_dma semaphore(%arg16 : memref<!tpu.dma_semaphore, #tpu.memory_space<semaphore_mem>>) src(%arg10 : memref<80xf32, #tpu.memory_space<vmem>>) dst(%dma_wait3A_145 : memref<512xf32, #tpu.memory_space<vmem_shared>>)
          } else {
          }
          %add3A_114 = arith.constant 1 : i32
          %add3A_115 = arith.addi %while3A_75, %add3A_114 : i32
          %add3A_116 = arith.addi %add3A_6, %add3A_115 : i32
          %mul3A_117 = arith.constant 80 : i32
          %mul3A_118 = arith.muli %add3A_116, %mul3A_117 : i32
          %dma_start3A_119 = arith.constant 1 : i32
          %dma_start3A_120 = arith.constant 0 : i32
          %dma_start3A_121 = arith.constant 0 : i32
          %dma_start3A_122 = tpu.memref_slice %arg7[%dma_start3A_119, %dma_start3A_120, %dma_start3A_121] : memref<2x80x128xf32, #tpu.memory_space<vmem>> -> memref<1x80x128xf32, #tpu.memory_space<vmem>>
          %dma_start3A_123 = tpu.memref_squeeze %dma_start3A_122 : memref<1x80x128xf32, #tpu.memory_space<vmem>> -> memref<80x128xf32, #tpu.memory_space<vmem>>
          %dma_start3A_124 = arith.constant 0 : i32
          %dma_start3A_125 = tpu.memref_slice %arg2[%mul3A_118, %dma_start3A_124] : memref<100000x128xf32, #tpu.memory_space<hbm>> -> memref<80x128xf32, #tpu.memory_space<hbm>>
          %dma_start3A_126 = arith.constant 0 : i32
          %dma_start3A_127 = arith.constant 0 : i32
          %dma_start3A_128 = tpu.memref_slice %arg7[%dma_start3A_119, %dma_start3A_126, %dma_start3A_127] : memref<2x80x128xf32, #tpu.memory_space<vmem>> -> memref<1x80x128xf32, #tpu.memory_space<vmem>>
          %dma_start3A_129 = tpu.memref_squeeze %dma_start3A_128 : memref<1x80x128xf32, #tpu.memory_space<vmem>> -> memref<80x128xf32, #tpu.memory_space<vmem>>
          %dma_start3A_130 = arith.constant 0 : i32
          %dma_start3A_131 = tpu.memref_slice %arg2[%mul3A_118, %dma_start3A_130] : memref<100000x128xf32, #tpu.memory_space<hbm>> -> memref<80x128xf32, #tpu.memory_space<hbm>>
          tpu.enqueue_dma source(%dma_start3A_131 : memref<80x128xf32, #tpu.memory_space<hbm>>) target(%dma_start3A_129 : memref<80x128xf32, #tpu.memory_space<vmem>>) target_semaphore(%arg14 : memref<!tpu.dma_semaphore, #tpu.memory_space<semaphore_mem>>)
        } else {
        }
        %rem3A_103 = arith.constant 2 : i32
        %rem3A_104 = arith.remsi %while3A_75, %rem3A_103 : i32
        %eq3A_105 = arith.constant 1 : i32
        %eq3A_106 = arith.cmpi eq, %rem3A_104, %eq3A_105 : i32
        %convert_element_type3A_107 = arith.extui %eq3A_106 : i1 to i32
        %cond3A_108 = arith.constant 0 : i32
        %cond3A_109 = arith.cmpi ne, %convert_element_type3A_107, %cond3A_108 : i32
        scf.if %cond3A_109 {
          %dma_wait3A_110 = arith.constant 0 : i32
          %dma_wait3A_111 = arith.constant 0 : i32
          %dma_wait3A_112 = arith.constant 0 : i32
          %dma_wait3A_113 = tpu.memref_slice %arg7[%dma_wait3A_110, %dma_wait3A_111, %dma_wait3A_112] : memref<2x80x128xf32, #tpu.memory_space<vmem>> -> memref<1x80x128xf32, #tpu.memory_space<vmem>>
          %dma_wait3A_114 = tpu.memref_squeeze %dma_wait3A_113 : memref<1x80x128xf32, #tpu.memory_space<vmem>> -> memref<80x128xf32, #tpu.memory_space<vmem>>
          %dma_wait3A_115 = arith.constant 0 : i32
          %dma_wait3A_116 = tpu.memref_slice %arg6[%dma_wait3A_115] : memref<3200xi32, #tpu.memory_space<vmem>> -> memref<80xi32, #tpu.memory_space<vmem>>
          %dma_wait3A_117 = arith.constant 0 : i32
          %dma_wait3A_118 = arith.constant 0 : i32
          %dma_wait3A_119 = tpu.memref_slice %arg11[%dma_wait3A_117, %dma_wait3A_118] : memref<512x128xf32, #tpu.memory_space<vmem_shared>> -> memref<512x128xf32, #tpu.memory_space<vmem_shared>>
          tpu.wait_indirect_dma semaphore(%arg15 : memref<!tpu.dma_semaphore, #tpu.memory_space<semaphore_mem>>) src(%dma_wait3A_114 : memref<80x128xf32, #tpu.memory_space<vmem>>) dst(%dma_wait3A_119 : memref<512x128xf32, #tpu.memory_space<vmem_shared>>)
          %dma_wait3A_120 = arith.constant 0 : i32
          %dma_wait3A_121 = tpu.memref_slice %arg6[%dma_wait3A_120] : memref<3200xi32, #tpu.memory_space<vmem>> -> memref<80xi32, #tpu.memory_space<vmem>>
          %dma_wait3A_122 = arith.constant 0 : i32
          %dma_wait3A_123 = tpu.memref_slice %arg12[%dma_wait3A_122] : memref<512xf32, #tpu.memory_space<vmem_shared>> -> memref<512xf32, #tpu.memory_space<vmem_shared>>
          tpu.wait_indirect_dma semaphore(%arg15 : memref<!tpu.dma_semaphore, #tpu.memory_space<semaphore_mem>>) src(%arg10 : memref<80xf32, #tpu.memory_space<vmem>>) dst(%dma_wait3A_123 : memref<512xf32, #tpu.memory_space<vmem_shared>>)
          %add3A_124 = arith.constant 1 : i32
          %add3A_125 = arith.addi %while3A_75, %add3A_124 : i32
          %add3A_126 = arith.addi %add3A_6, %add3A_125 : i32
          %mul3A_127 = arith.constant 80 : i32
          %mul3A_128 = arith.muli %add3A_126, %mul3A_127 : i32
          %dma_start3A_129 = arith.constant 0 : i32
          %dma_start3A_130 = arith.constant 0 : i32
          %dma_start3A_131 = arith.constant 0 : i32
          %dma_start3A_132 = tpu.memref_slice %arg7[%dma_start3A_129, %dma_start3A_130, %dma_start3A_131] : memref<2x80x128xf32, #tpu.memory_space<vmem>> -> memref<1x80x128xf32, #tpu.memory_space<vmem>>
          %dma_start3A_133 = tpu.memref_squeeze %dma_start3A_132 : memref<1x80x128xf32, #tpu.memory_space<vmem>> -> memref<80x128xf32, #tpu.memory_space<vmem>>
          %dma_start3A_134 = arith.constant 0 : i32
          %dma_start3A_135 = tpu.memref_slice %arg2[%mul3A_128, %dma_start3A_134] : memref<100000x128xf32, #tpu.memory_space<hbm>> -> memref<80x128xf32, #tpu.memory_space<hbm>>
          %dma_start3A_136 = arith.constant 0 : i32
          %dma_start3A_137 = arith.constant 0 : i32
          %dma_start3A_138 = tpu.memref_slice %arg7[%dma_start3A_129, %dma_start3A_136, %dma_start3A_137] : memref<2x80x128xf32, #tpu.memory_space<vmem>> -> memref<1x80x128xf32, #tpu.memory_space<vmem>>
          %dma_start3A_139 = tpu.memref_squeeze %dma_start3A_138 : memref<1x80x128xf32, #tpu.memory_space<vmem>> -> memref<80x128xf32, #tpu.memory_space<vmem>>
          %dma_start3A_140 = arith.constant 0 : i32
          %dma_start3A_141 = tpu.memref_slice %arg2[%mul3A_128, %dma_start3A_140] : memref<100000x128xf32, #tpu.memory_space<hbm>> -> memref<80x128xf32, #tpu.memory_space<hbm>>
          tpu.enqueue_dma source(%dma_start3A_141 : memref<80x128xf32, #tpu.memory_space<hbm>>) target(%dma_start3A_139 : memref<80x128xf32, #tpu.memory_space<vmem>>) target_semaphore(%arg13 : memref<!tpu.dma_semaphore, #tpu.memory_space<semaphore_mem>>)
        } else {
        }
      } else {
      }
      %rem3A_82 = arith.constant 2 : i32
      %rem3A_83 = arith.remsi %while3A_75, %rem3A_82 : i32
      %eq3A_84 = arith.constant 0 : i32
      %eq3A_85 = arith.cmpi eq, %rem3A_83, %eq3A_84 : i32
      %convert_element_type3A_86 = arith.extui %eq3A_85 : i1 to i32
      %cond3A_87 = arith.constant 0 : i32
      %cond3A_88 = arith.cmpi ne, %convert_element_type3A_86, %cond3A_87 : i32
      scf.if %cond3A_88 {
        %dma_wait3A_96 = arith.constant 0 : i32
        %dma_wait3A_97 = arith.constant 0 : i32
        %dma_wait3A_98 = arith.constant 0 : i32
        %dma_wait3A_99 = tpu.memref_slice %arg7[%dma_wait3A_96, %dma_wait3A_97, %dma_wait3A_98] : memref<2x80x128xf32, #tpu.memory_space<vmem>> -> memref<1x80x128xf32, #tpu.memory_space<vmem>>
        %dma_wait3A_100 = tpu.memref_squeeze %dma_wait3A_99 : memref<1x80x128xf32, #tpu.memory_space<vmem>> -> memref<80x128xf32, #tpu.memory_space<vmem>>
        %dma_wait3A_101 = arith.constant 0 : i32
        %dma_wait3A_102 = arith.constant 0 : i32
        %dma_wait3A_103 = tpu.memref_slice %arg2[%dma_wait3A_101, %dma_wait3A_102] : memref<100000x128xf32, #tpu.memory_space<hbm>> -> memref<80x128xf32, #tpu.memory_space<hbm>>
        %dma_wait3A_104 = arith.constant 0 : i32
        %dma_wait3A_105 = arith.constant 0 : i32
        %dma_wait3A_106 = tpu.memref_slice %arg7[%dma_wait3A_96, %dma_wait3A_104, %dma_wait3A_105] : memref<2x80x128xf32, #tpu.memory_space<vmem>> -> memref<1x80x128xf32, #tpu.memory_space<vmem>>
        %dma_wait3A_107 = tpu.memref_squeeze %dma_wait3A_106 : memref<1x80x128xf32, #tpu.memory_space<vmem>> -> memref<80x128xf32, #tpu.memory_space<vmem>>
        %dma_wait3A_108 = arith.constant 0 : i32
        %dma_wait3A_109 = arith.constant 0 : i32
        %dma_wait3A_110 = tpu.memref_slice %arg2[%dma_wait3A_108, %dma_wait3A_109] : memref<100000x128xf32, #tpu.memory_space<hbm>> -> memref<80x128xf32, #tpu.memory_space<hbm>>
        tpu.wait_dma2 semaphore(%arg13 : memref<!tpu.dma_semaphore, #tpu.memory_space<semaphore_mem>>) src(%dma_wait3A_110 : memref<80x128xf32, #tpu.memory_space<hbm>>) dst(%dma_wait3A_107 : memref<80x128xf32, #tpu.memory_space<vmem>>)
        %mul3A_111 = arith.constant 80 : i32
        %mul3A_112 = arith.muli %while3A_75, %mul3A_111 : i32
        %dma_start3A_113 = arith.constant 0 : i32
        %dma_start3A_114 = arith.constant 0 : i32
        %dma_start3A_115 = arith.constant 0 : i32
        %dma_start3A_116 = tpu.memref_slice %arg7[%dma_start3A_113, %dma_start3A_114, %dma_start3A_115] : memref<2x80x128xf32, #tpu.memory_space<vmem>> -> memref<1x80x128xf32, #tpu.memory_space<vmem>>
        %dma_start3A_117 = tpu.memref_squeeze %dma_start3A_116 : memref<1x80x128xf32, #tpu.memory_space<vmem>> -> memref<80x128xf32, #tpu.memory_space<vmem>>
        %dma_start3A_118 = tpu.memref_slice %arg6[%mul3A_112] : memref<3200xi32, #tpu.memory_space<vmem>> -> memref<80xi32, #tpu.memory_space<vmem>>
        %dma_start3A_119 = arith.constant 0 : i32
        %dma_start3A_120 = arith.constant 0 : i32
        %dma_start3A_121 = tpu.memref_slice %arg11[%dma_start3A_119, %dma_start3A_120] : memref<512x128xf32, #tpu.memory_space<vmem_shared>> -> memref<512x128xf32, #tpu.memory_space<vmem_shared>>
        tpu.enqueue_indirect_dma source(%dma_start3A_117 : memref<80x128xf32, #tpu.memory_space<vmem>>) target(%dma_start3A_121 : memref<512x128xf32, #tpu.memory_space<vmem_shared>>) offsets(%dma_start3A_118 : memref<80xi32, #tpu.memory_space<vmem>>) semaphore(%arg15 : memref<!tpu.dma_semaphore, #tpu.memory_space<semaphore_mem>>) {add = true}
        %dma_start3A_122 = tpu.memref_slice %arg6[%mul3A_112] : memref<3200xi32, #tpu.memory_space<vmem>> -> memref<80xi32, #tpu.memory_space<vmem>>
        %dma_start3A_123 = arith.constant 0 : i32
        %dma_start3A_124 = tpu.memref_slice %arg12[%dma_start3A_123] : memref<512xf32, #tpu.memory_space<vmem_shared>> -> memref<512xf32, #tpu.memory_space<vmem_shared>>
        tpu.enqueue_indirect_dma source(%arg10 : memref<80xf32, #tpu.memory_space<vmem>>) target(%dma_start3A_124 : memref<512xf32, #tpu.memory_space<vmem_shared>>) offsets(%dma_start3A_122 : memref<80xi32, #tpu.memory_space<vmem>>) semaphore(%arg15 : memref<!tpu.dma_semaphore, #tpu.memory_space<semaphore_mem>>) {add = true}
      } else {
      }
      %rem3A_89 = arith.constant 2 : i32
      %rem3A_90 = arith.remsi %while3A_75, %rem3A_89 : i32
      %eq3A_91 = arith.constant 1 : i32
      %eq3A_92 = arith.cmpi eq, %rem3A_90, %eq3A_91 : i32
      %convert_element_type3A_93 = arith.extui %eq3A_92 : i1 to i32
      %cond3A_94 = arith.constant 0 : i32
      %cond3A_95 = arith.cmpi ne, %convert_element_type3A_93, %cond3A_94 : i32
      scf.if %cond3A_95 {
        %dma_wait3A_96 = arith.constant 1 : i32
        %dma_wait3A_97 = arith.constant 0 : i32
        %dma_wait3A_98 = arith.constant 0 : i32
        %dma_wait3A_99 = tpu.memref_slice %arg7[%dma_wait3A_96, %dma_wait3A_97, %dma_wait3A_98] : memref<2x80x128xf32, #tpu.memory_space<vmem>> -> memref<1x80x128xf32, #tpu.memory_space<vmem>>
        %dma_wait3A_100 = tpu.memref_squeeze %dma_wait3A_99 : memref<1x80x128xf32, #tpu.memory_space<vmem>> -> memref<80x128xf32, #tpu.memory_space<vmem>>
        %dma_wait3A_101 = arith.constant 0 : i32
        %dma_wait3A_102 = arith.constant 0 : i32
        %dma_wait3A_103 = tpu.memref_slice %arg2[%dma_wait3A_101, %dma_wait3A_102] : memref<100000x128xf32, #tpu.memory_space<hbm>> -> memref<80x128xf32, #tpu.memory_space<hbm>>
        %dma_wait3A_104 = arith.constant 0 : i32
        %dma_wait3A_105 = arith.constant 0 : i32
        %dma_wait3A_106 = tpu.memref_slice %arg7[%dma_wait3A_96, %dma_wait3A_104, %dma_wait3A_105] : memref<2x80x128xf32, #tpu.memory_space<vmem>> -> memref<1x80x128xf32, #tpu.memory_space<vmem>>
        %dma_wait3A_107 = tpu.memref_squeeze %dma_wait3A_106 : memref<1x80x128xf32, #tpu.memory_space<vmem>> -> memref<80x128xf32, #tpu.memory_space<vmem>>
        %dma_wait3A_108 = arith.constant 0 : i32
        %dma_wait3A_109 = arith.constant 0 : i32
        %dma_wait3A_110 = tpu.memref_slice %arg2[%dma_wait3A_108, %dma_wait3A_109] : memref<100000x128xf32, #tpu.memory_space<hbm>> -> memref<80x128xf32, #tpu.memory_space<hbm>>
        tpu.wait_dma2 semaphore(%arg14 : memref<!tpu.dma_semaphore, #tpu.memory_space<semaphore_mem>>) src(%dma_wait3A_110 : memref<80x128xf32, #tpu.memory_space<hbm>>) dst(%dma_wait3A_107 : memref<80x128xf32, #tpu.memory_space<vmem>>)
        %mul3A_111 = arith.constant 80 : i32
        %mul3A_112 = arith.muli %while3A_75, %mul3A_111 : i32
        %dma_start3A_113 = arith.constant 1 : i32
        %dma_start3A_114 = arith.constant 0 : i32
        %dma_start3A_115 = arith.constant 0 : i32
        %dma_start3A_116 = tpu.memref_slice %arg7[%dma_start3A_113, %dma_start3A_114, %dma_start3A_115] : memref<2x80x128xf32, #tpu.memory_space<vmem>> -> memref<1x80x128xf32, #tpu.memory_space<vmem>>
        %dma_start3A_117 = tpu.memref_squeeze %dma_start3A_116 : memref<1x80x128xf32, #tpu.memory_space<vmem>> -> memref<80x128xf32, #tpu.memory_space<vmem>>
        %dma_start3A_118 = tpu.memref_slice %arg6[%mul3A_112] : memref<3200xi32, #tpu.memory_space<vmem>> -> memref<80xi32, #tpu.memory_space<vmem>>
        %dma_start3A_119 = arith.constant 0 : i32
        %dma_start3A_120 = arith.constant 0 : i32
        %dma_start3A_121 = tpu.memref_slice %arg11[%dma_start3A_119, %dma_start3A_120] : memref<512x128xf32, #tpu.memory_space<vmem_shared>> -> memref<512x128xf32, #tpu.memory_space<vmem_shared>>
        tpu.enqueue_indirect_dma source(%dma_start3A_117 : memref<80x128xf32, #tpu.memory_space<vmem>>) target(%dma_start3A_121 : memref<512x128xf32, #tpu.memory_space<vmem_shared>>) offsets(%dma_start3A_118 : memref<80xi32, #tpu.memory_space<vmem>>) semaphore(%arg16 : memref<!tpu.dma_semaphore, #tpu.memory_space<semaphore_mem>>) {add = true}
        %dma_start3A_122 = tpu.memref_slice %arg6[%mul3A_112] : memref<3200xi32, #tpu.memory_space<vmem>> -> memref<80xi32, #tpu.memory_space<vmem>>
        %dma_start3A_123 = arith.constant 0 : i32
        %dma_start3A_124 = tpu.memref_slice %arg12[%dma_start3A_123] : memref<512xf32, #tpu.memory_space<vmem_shared>> -> memref<512xf32, #tpu.memory_space<vmem_shared>>
        tpu.enqueue_indirect_dma source(%arg10 : memref<80xf32, #tpu.memory_space<vmem>>) target(%dma_start3A_124 : memref<512xf32, #tpu.memory_space<vmem_shared>>) offsets(%dma_start3A_122 : memref<80xi32, #tpu.memory_space<vmem>>) semaphore(%arg16 : memref<!tpu.dma_semaphore, #tpu.memory_space<semaphore_mem>>) {add = true}
      } else {
      }
    }
    %while3A_55 = arith.constant 1 : i32
    scf.for %while3A_75 = %while3A_53 to %while3A_49 step %while3A_55  : i32 {
      %add3A_76 = arith.constant 1 : i32
      %add3A_77 = arith.addi %while3A_75, %add3A_76 : i32
      %lt3A_78 = arith.cmpi slt, %add3A_77, %select_n3A : i32
      %convert_element_type3A_79 = arith.extui %lt3A_78 : i1 to i32
      %cond3A_80 = arith.constant 0 : i32
      %cond3A_81 = arith.cmpi ne, %convert_element_type3A_79, %cond3A_80 : i32
      scf.if %cond3A_81 {
        %rem3A_96 = arith.constant 2 : i32
        %rem3A_97 = arith.remsi %while3A_75, %rem3A_96 : i32
        %eq3A_98 = arith.constant 0 : i32
        %eq3A_99 = arith.cmpi eq, %rem3A_97, %eq3A_98 : i32
        %convert_element_type3A_100 = arith.extui %eq3A_99 : i1 to i32
        %cond3A_101 = arith.constant 0 : i32
        %cond3A_102 = arith.cmpi ne, %convert_element_type3A_100, %cond3A_101 : i32
        scf.if %cond3A_102 {
          %ge3A = arith.constant 1 : i32
          %ge3A_110 = arith.cmpi sge, %while3A_75, %ge3A : i32
          %convert_element_type3A_111 = arith.extui %ge3A_110 : i1 to i32
          %cond3A_112 = arith.constant 0 : i32
          %cond3A_113 = arith.cmpi ne, %convert_element_type3A_111, %cond3A_112 : i32
          scf.if %cond3A_113 {
            %dma_wait3A_132 = arith.constant 1 : i32
            %dma_wait3A_133 = arith.constant 0 : i32
            %dma_wait3A_134 = arith.constant 0 : i32
            %dma_wait3A_135 = tpu.memref_slice %arg7[%dma_wait3A_132, %dma_wait3A_133, %dma_wait3A_134] : memref<2x80x128xf32, #tpu.memory_space<vmem>> -> memref<1x80x128xf32, #tpu.memory_space<vmem>>
            %dma_wait3A_136 = tpu.memref_squeeze %dma_wait3A_135 : memref<1x80x128xf32, #tpu.memory_space<vmem>> -> memref<80x128xf32, #tpu.memory_space<vmem>>
            %dma_wait3A_137 = arith.constant 0 : i32
            %dma_wait3A_138 = tpu.memref_slice %arg6[%dma_wait3A_137] : memref<3200xi32, #tpu.memory_space<vmem>> -> memref<80xi32, #tpu.memory_space<vmem>>
            %dma_wait3A_139 = arith.constant 0 : i32
            %dma_wait3A_140 = arith.constant 0 : i32
            %dma_wait3A_141 = tpu.memref_slice %arg11[%dma_wait3A_139, %dma_wait3A_140] : memref<512x128xf32, #tpu.memory_space<vmem_shared>> -> memref<512x128xf32, #tpu.memory_space<vmem_shared>>
            tpu.wait_indirect_dma semaphore(%arg16 : memref<!tpu.dma_semaphore, #tpu.memory_space<semaphore_mem>>) src(%dma_wait3A_136 : memref<80x128xf32, #tpu.memory_space<vmem>>) dst(%dma_wait3A_141 : memref<512x128xf32, #tpu.memory_space<vmem_shared>>)
            %dma_wait3A_142 = arith.constant 0 : i32
            %dma_wait3A_143 = tpu.memref_slice %arg6[%dma_wait3A_142] : memref<3200xi32, #tpu.memory_space<vmem>> -> memref<80xi32, #tpu.memory_space<vmem>>
            %dma_wait3A_144 = arith.constant 0 : i32
            %dma_wait3A_145 = tpu.memref_slice %arg12[%dma_wait3A_144] : memref<512xf32, #tpu.memory_space<vmem_shared>> -> memref<512xf32, #tpu.memory_space<vmem_shared>>
            tpu.wait_indirect_dma semaphore(%arg16 : memref<!tpu.dma_semaphore, #tpu.memory_space<semaphore_mem>>) src(%arg10 : memref<80xf32, #tpu.memory_space<vmem>>) dst(%dma_wait3A_145 : memref<512xf32, #tpu.memory_space<vmem_shared>>)
          } else {
          }
          %add3A_114 = arith.constant 1 : i32
          %add3A_115 = arith.addi %while3A_75, %add3A_114 : i32
          %add3A_116 = arith.addi %add3A_6, %add3A_115 : i32
          %mul3A_117 = arith.constant 80 : i32
          %mul3A_118 = arith.muli %add3A_116, %mul3A_117 : i32
          %dma_start3A_119 = arith.constant 1 : i32
          %dma_start3A_120 = arith.constant 0 : i32
          %dma_start3A_121 = arith.constant 0 : i32
          %dma_start3A_122 = tpu.memref_slice %arg7[%dma_start3A_119, %dma_start3A_120, %dma_start3A_121] : memref<2x80x128xf32, #tpu.memory_space<vmem>> -> memref<1x80x128xf32, #tpu.memory_space<vmem>>
          %dma_start3A_123 = tpu.memref_squeeze %dma_start3A_122 : memref<1x80x128xf32, #tpu.memory_space<vmem>> -> memref<80x128xf32, #tpu.memory_space<vmem>>
          %dma_start3A_124 = arith.constant 0 : i32
          %dma_start3A_125 = tpu.memref_slice %arg2[%mul3A_118, %dma_start3A_124] : memref<100000x128xf32, #tpu.memory_space<hbm>> -> memref<80x128xf32, #tpu.memory_space<hbm>>
          %dma_start3A_126 = arith.constant 0 : i32
          %dma_start3A_127 = arith.constant 0 : i32
          %dma_start3A_128 = tpu.memref_slice %arg7[%dma_start3A_119, %dma_start3A_126, %dma_start3A_127] : memref<2x80x128xf32, #tpu.memory_space<vmem>> -> memref<1x80x128xf32, #tpu.memory_space<vmem>>
          %dma_start3A_129 = tpu.memref_squeeze %dma_start3A_128 : memref<1x80x128xf32, #tpu.memory_space<vmem>> -> memref<80x128xf32, #tpu.memory_space<vmem>>
          %dma_start3A_130 = arith.constant 0 : i32
          %dma_start3A_131 = tpu.memref_slice %arg2[%mul3A_118, %dma_start3A_130] : memref<100000x128xf32, #tpu.memory_space<hbm>> -> memref<80x128xf32, #tpu.memory_space<hbm>>
          tpu.enqueue_dma source(%dma_start3A_131 : memref<80x128xf32, #tpu.memory_space<hbm>>) target(%dma_start3A_129 : memref<80x128xf32, #tpu.memory_space<vmem>>) target_semaphore(%arg14 : memref<!tpu.dma_semaphore, #tpu.memory_space<semaphore_mem>>)
        } else {
        }
        %rem3A_103 = arith.constant 2 : i32
        %rem3A_104 = arith.remsi %while3A_75, %rem3A_103 : i32
        %eq3A_105 = arith.constant 1 : i32
        %eq3A_106 = arith.cmpi eq, %rem3A_104, %eq3A_105 : i32
        %convert_element_type3A_107 = arith.extui %eq3A_106 : i1 to i32
        %cond3A_108 = arith.constant 0 : i32
        %cond3A_109 = arith.cmpi ne, %convert_element_type3A_107, %cond3A_108 : i32
        scf.if %cond3A_109 {
          %dma_wait3A_110 = arith.constant 0 : i32
          %dma_wait3A_111 = arith.constant 0 : i32
          %dma_wait3A_112 = arith.constant 0 : i32
          %dma_wait3A_113 = tpu.memref_slice %arg7[%dma_wait3A_110, %dma_wait3A_111, %dma_wait3A_112] : memref<2x80x128xf32, #tpu.memory_space<vmem>> -> memref<1x80x128xf32, #tpu.memory_space<vmem>>
          %dma_wait3A_114 = tpu.memref_squeeze %dma_wait3A_113 : memref<1x80x128xf32, #tpu.memory_space<vmem>> -> memref<80x128xf32, #tpu.memory_space<vmem>>
          %dma_wait3A_115 = arith.constant 0 : i32
          %dma_wait3A_116 = tpu.memref_slice %arg6[%dma_wait3A_115] : memref<3200xi32, #tpu.memory_space<vmem>> -> memref<80xi32, #tpu.memory_space<vmem>>
          %dma_wait3A_117 = arith.constant 0 : i32
          %dma_wait3A_118 = arith.constant 0 : i32
          %dma_wait3A_119 = tpu.memref_slice %arg11[%dma_wait3A_117, %dma_wait3A_118] : memref<512x128xf32, #tpu.memory_space<vmem_shared>> -> memref<512x128xf32, #tpu.memory_space<vmem_shared>>
          tpu.wait_indirect_dma semaphore(%arg15 : memref<!tpu.dma_semaphore, #tpu.memory_space<semaphore_mem>>) src(%dma_wait3A_114 : memref<80x128xf32, #tpu.memory_space<vmem>>) dst(%dma_wait3A_119 : memref<512x128xf32, #tpu.memory_space<vmem_shared>>)
          %dma_wait3A_120 = arith.constant 0 : i32
          %dma_wait3A_121 = tpu.memref_slice %arg6[%dma_wait3A_120] : memref<3200xi32, #tpu.memory_space<vmem>> -> memref<80xi32, #tpu.memory_space<vmem>>
          %dma_wait3A_122 = arith.constant 0 : i32
          %dma_wait3A_123 = tpu.memref_slice %arg12[%dma_wait3A_122] : memref<512xf32, #tpu.memory_space<vmem_shared>> -> memref<512xf32, #tpu.memory_space<vmem_shared>>
          tpu.wait_indirect_dma semaphore(%arg15 : memref<!tpu.dma_semaphore, #tpu.memory_space<semaphore_mem>>) src(%arg10 : memref<80xf32, #tpu.memory_space<vmem>>) dst(%dma_wait3A_123 : memref<512xf32, #tpu.memory_space<vmem_shared>>)
          %add3A_124 = arith.constant 1 : i32
          %add3A_125 = arith.addi %while3A_75, %add3A_124 : i32
          %add3A_126 = arith.addi %add3A_6, %add3A_125 : i32
          %mul3A_127 = arith.constant 80 : i32
          %mul3A_128 = arith.muli %add3A_126, %mul3A_127 : i32
          %dma_start3A_129 = arith.constant 0 : i32
          %dma_start3A_130 = arith.constant 0 : i32
          %dma_start3A_131 = arith.constant 0 : i32
          %dma_start3A_132 = tpu.memref_slice %arg7[%dma_start3A_129, %dma_start3A_130, %dma_start3A_131] : memref<2x80x128xf32, #tpu.memory_space<vmem>> -> memref<1x80x128xf32, #tpu.memory_space<vmem>>
          %dma_start3A_133 = tpu.memref_squeeze %dma_start3A_132 : memref<1x80x128xf32, #tpu.memory_space<vmem>> -> memref<80x128xf32, #tpu.memory_space<vmem>>
          %dma_start3A_134 = arith.constant 0 : i32
          %dma_start3A_135 = tpu.memref_slice %arg2[%mul3A_128, %dma_start3A_134] : memref<100000x128xf32, #tpu.memory_space<hbm>> -> memref<80x128xf32, #tpu.memory_space<hbm>>
          %dma_start3A_136 = arith.constant 0 : i32
          %dma_start3A_137 = arith.constant 0 : i32
          %dma_start3A_138 = tpu.memref_slice %arg7[%dma_start3A_129, %dma_start3A_136, %dma_start3A_137] : memref<2x80x128xf32, #tpu.memory_space<vmem>> -> memref<1x80x128xf32, #tpu.memory_space<vmem>>
          %dma_start3A_139 = tpu.memref_squeeze %dma_start3A_138 : memref<1x80x128xf32, #tpu.memory_space<vmem>> -> memref<80x128xf32, #tpu.memory_space<vmem>>
          %dma_start3A_140 = arith.constant 0 : i32
          %dma_start3A_141 = tpu.memref_slice %arg2[%mul3A_128, %dma_start3A_140] : memref<100000x128xf32, #tpu.memory_space<hbm>> -> memref<80x128xf32, #tpu.memory_space<hbm>>
          tpu.enqueue_dma source(%dma_start3A_141 : memref<80x128xf32, #tpu.memory_space<hbm>>) target(%dma_start3A_139 : memref<80x128xf32, #tpu.memory_space<vmem>>) target_semaphore(%arg13 : memref<!tpu.dma_semaphore, #tpu.memory_space<semaphore_mem>>)
        } else {
        }
      } else {
      }
      %rem3A_82 = arith.constant 2 : i32
      %rem3A_83 = arith.remsi %while3A_75, %rem3A_82 : i32
      %eq3A_84 = arith.constant 0 : i32
      %eq3A_85 = arith.cmpi eq, %rem3A_83, %eq3A_84 : i32
      %convert_element_type3A_86 = arith.extui %eq3A_85 : i1 to i32
      %cond3A_87 = arith.constant 0 : i32
      %cond3A_88 = arith.cmpi ne, %convert_element_type3A_86, %cond3A_87 : i32
      scf.if %cond3A_88 {
        %dma_wait3A_96 = arith.constant 0 : i32
        %dma_wait3A_97 = arith.constant 0 : i32
        %dma_wait3A_98 = arith.constant 0 : i32
        %dma_wait3A_99 = tpu.memref_slice %arg7[%dma_wait3A_96, %dma_wait3A_97, %dma_wait3A_98] : memref<2x80x128xf32, #tpu.memory_space<vmem>> -> memref<1x80x128xf32, #tpu.memory_space<vmem>>
        %dma_wait3A_100 = tpu.memref_squeeze %dma_wait3A_99 : memref<1x80x128xf32, #tpu.memory_space<vmem>> -> memref<80x128xf32, #tpu.memory_space<vmem>>
        %dma_wait3A_101 = arith.constant 0 : i32
        %dma_wait3A_102 = arith.constant 0 : i32
        %dma_wait3A_103 = tpu.memref_slice %arg2[%dma_wait3A_101, %dma_wait3A_102] : memref<100000x128xf32, #tpu.memory_space<hbm>> -> memref<80x128xf32, #tpu.memory_space<hbm>>
        %dma_wait3A_104 = arith.constant 0 : i32
        %dma_wait3A_105 = arith.constant 0 : i32
        %dma_wait3A_106 = tpu.memref_slice %arg7[%dma_wait3A_96, %dma_wait3A_104, %dma_wait3A_105] : memref<2x80x128xf32, #tpu.memory_space<vmem>> -> memref<1x80x128xf32, #tpu.memory_space<vmem>>
        %dma_wait3A_107 = tpu.memref_squeeze %dma_wait3A_106 : memref<1x80x128xf32, #tpu.memory_space<vmem>> -> memref<80x128xf32, #tpu.memory_space<vmem>>
        %dma_wait3A_108 = arith.constant 0 : i32
        %dma_wait3A_109 = arith.constant 0 : i32
        %dma_wait3A_110 = tpu.memref_slice %arg2[%dma_wait3A_108, %dma_wait3A_109] : memref<100000x128xf32, #tpu.memory_space<hbm>> -> memref<80x128xf32, #tpu.memory_space<hbm>>
        tpu.wait_dma2 semaphore(%arg13 : memref<!tpu.dma_semaphore, #tpu.memory_space<semaphore_mem>>) src(%dma_wait3A_110 : memref<80x128xf32, #tpu.memory_space<hbm>>) dst(%dma_wait3A_107 : memref<80x128xf32, #tpu.memory_space<vmem>>)
        %mul3A_111 = arith.constant 80 : i32
        %mul3A_112 = arith.muli %while3A_75, %mul3A_111 : i32
        %dma_start3A_113 = arith.constant 0 : i32
        %dma_start3A_114 = arith.constant 0 : i32
        %dma_start3A_115 = arith.constant 0 : i32
        %dma_start3A_116 = tpu.memref_slice %arg7[%dma_start3A_113, %dma_start3A_114, %dma_start3A_115] : memref<2x80x128xf32, #tpu.memory_space<vmem>> -> memref<1x80x128xf32, #tpu.memory_space<vmem>>
        %dma_start3A_117 = tpu.memref_squeeze %dma_start3A_116 : memref<1x80x128xf32, #tpu.memory_space<vmem>> -> memref<80x128xf32, #tpu.memory_space<vmem>>
        %dma_start3A_118 = tpu.memref_slice %arg6[%mul3A_112] : memref<3200xi32, #tpu.memory_space<vmem>> -> memref<80xi32, #tpu.memory_space<vmem>>
        %dma_start3A_119 = arith.constant 0 : i32
        %dma_start3A_120 = arith.constant 0 : i32
        %dma_start3A_121 = tpu.memref_slice %arg11[%dma_start3A_119, %dma_start3A_120] : memref<512x128xf32, #tpu.memory_space<vmem_shared>> -> memref<512x128xf32, #tpu.memory_space<vmem_shared>>
        tpu.enqueue_indirect_dma source(%dma_start3A_117 : memref<80x128xf32, #tpu.memory_space<vmem>>) target(%dma_start3A_121 : memref<512x128xf32, #tpu.memory_space<vmem_shared>>) offsets(%dma_start3A_118 : memref<80xi32, #tpu.memory_space<vmem>>) semaphore(%arg15 : memref<!tpu.dma_semaphore, #tpu.memory_space<semaphore_mem>>) {add = true}
        %dma_start3A_122 = tpu.memref_slice %arg6[%mul3A_112] : memref<3200xi32, #tpu.memory_space<vmem>> -> memref<80xi32, #tpu.memory_space<vmem>>
        %dma_start3A_123 = arith.constant 0 : i32
        %dma_start3A_124 = tpu.memref_slice %arg12[%dma_start3A_123] : memref<512xf32, #tpu.memory_space<vmem_shared>> -> memref<512xf32, #tpu.memory_space<vmem_shared>>
        tpu.enqueue_indirect_dma source(%arg10 : memref<80xf32, #tpu.memory_space<vmem>>) target(%dma_start3A_124 : memref<512xf32, #tpu.memory_space<vmem_shared>>) offsets(%dma_start3A_122 : memref<80xi32, #tpu.memory_space<vmem>>) semaphore(%arg15 : memref<!tpu.dma_semaphore, #tpu.memory_space<semaphore_mem>>) {add = true}
      } else {
      }
      %rem3A_89 = arith.constant 2 : i32
      %rem3A_90 = arith.remsi %while3A_75, %rem3A_89 : i32
      %eq3A_91 = arith.constant 1 : i32
      %eq3A_92 = arith.cmpi eq, %rem3A_90, %eq3A_91 : i32
      %convert_element_type3A_93 = arith.extui %eq3A_92 : i1 to i32
      %cond3A_94 = arith.constant 0 : i32
      %cond3A_95 = arith.cmpi ne, %convert_element_type3A_93, %cond3A_94 : i32
      scf.if %cond3A_95 {
        %dma_wait3A_96 = arith.constant 1 : i32
        %dma_wait3A_97 = arith.constant 0 : i32
        %dma_wait3A_98 = arith.constant 0 : i32
        %dma_wait3A_99 = tpu.memref_slice %arg7[%dma_wait3A_96, %dma_wait3A_97, %dma_wait3A_98] : memref<2x80x128xf32, #tpu.memory_space<vmem>> -> memref<1x80x128xf32, #tpu.memory_space<vmem>>
        %dma_wait3A_100 = tpu.memref_squeeze %dma_wait3A_99 : memref<1x80x128xf32, #tpu.memory_space<vmem>> -> memref<80x128xf32, #tpu.memory_space<vmem>>
        %dma_wait3A_101 = arith.constant 0 : i32
        %dma_wait3A_102 = arith.constant 0 : i32
        %dma_wait3A_103 = tpu.memref_slice %arg2[%dma_wait3A_101, %dma_wait3A_102] : memref<100000x128xf32, #tpu.memory_space<hbm>> -> memref<80x128xf32, #tpu.memory_space<hbm>>
        %dma_wait3A_104 = arith.constant 0 : i32
        %dma_wait3A_105 = arith.constant 0 : i32
        %dma_wait3A_106 = tpu.memref_slice %arg7[%dma_wait3A_96, %dma_wait3A_104, %dma_wait3A_105] : memref<2x80x128xf32, #tpu.memory_space<vmem>> -> memref<1x80x128xf32, #tpu.memory_space<vmem>>
        %dma_wait3A_107 = tpu.memref_squeeze %dma_wait3A_106 : memref<1x80x128xf32, #tpu.memory_space<vmem>> -> memref<80x128xf32, #tpu.memory_space<vmem>>
        %dma_wait3A_108 = arith.constant 0 : i32
        %dma_wait3A_109 = arith.constant 0 : i32
        %dma_wait3A_110 = tpu.memref_slice %arg2[%dma_wait3A_108, %dma_wait3A_109] : memref<100000x128xf32, #tpu.memory_space<hbm>> -> memref<80x128xf32, #tpu.memory_space<hbm>>
        tpu.wait_dma2 semaphore(%arg14 : memref<!tpu.dma_semaphore, #tpu.memory_space<semaphore_mem>>) src(%dma_wait3A_110 : memref<80x128xf32, #tpu.memory_space<hbm>>) dst(%dma_wait3A_107 : memref<80x128xf32, #tpu.memory_space<vmem>>)
        %mul3A_111 = arith.constant 80 : i32
        %mul3A_112 = arith.muli %while3A_75, %mul3A_111 : i32
        %dma_start3A_113 = arith.constant 1 : i32
        %dma_start3A_114 = arith.constant 0 : i32
        %dma_start3A_115 = arith.constant 0 : i32
        %dma_start3A_116 = tpu.memref_slice %arg7[%dma_start3A_113, %dma_start3A_114, %dma_start3A_115] : memref<2x80x128xf32, #tpu.memory_space<vmem>> -> memref<1x80x128xf32, #tpu.memory_space<vmem>>
        %dma_start3A_117 = tpu.memref_squeeze %dma_start3A_116 : memref<1x80x128xf32, #tpu.memory_space<vmem>> -> memref<80x128xf32, #tpu.memory_space<vmem>>
        %dma_start3A_118 = tpu.memref_slice %arg6[%mul3A_112] : memref<3200xi32, #tpu.memory_space<vmem>> -> memref<80xi32, #tpu.memory_space<vmem>>
        %dma_start3A_119 = arith.constant 0 : i32
        %dma_start3A_120 = arith.constant 0 : i32
        %dma_start3A_121 = tpu.memref_slice %arg11[%dma_start3A_119, %dma_start3A_120] : memref<512x128xf32, #tpu.memory_space<vmem_shared>> -> memref<512x128xf32, #tpu.memory_space<vmem_shared>>
        tpu.enqueue_indirect_dma source(%dma_start3A_117 : memref<80x128xf32, #tpu.memory_space<vmem>>) target(%dma_start3A_121 : memref<512x128xf32, #tpu.memory_space<vmem_shared>>) offsets(%dma_start3A_118 : memref<80xi32, #tpu.memory_space<vmem>>) semaphore(%arg16 : memref<!tpu.dma_semaphore, #tpu.memory_space<semaphore_mem>>) {add = true}
        %dma_start3A_122 = tpu.memref_slice %arg6[%mul3A_112] : memref<3200xi32, #tpu.memory_space<vmem>> -> memref<80xi32, #tpu.memory_space<vmem>>
        %dma_start3A_123 = arith.constant 0 : i32
        %dma_start3A_124 = tpu.memref_slice %arg12[%dma_start3A_123] : memref<512xf32, #tpu.memory_space<vmem_shared>> -> memref<512xf32, #tpu.memory_space<vmem_shared>>
        tpu.enqueue_indirect_dma source(%arg10 : memref<80xf32, #tpu.memory_space<vmem>>) target(%dma_start3A_124 : memref<512xf32, #tpu.memory_space<vmem_shared>>) offsets(%dma_start3A_122 : memref<80xi32, #tpu.memory_space<vmem>>) semaphore(%arg16 : memref<!tpu.dma_semaphore, #tpu.memory_space<semaphore_mem>>) {add = true}
      } else {
      }
    }
    %sub3A = arith.constant 1 : i32
    %sub3A_56 = arith.subi %select_n3A, %sub3A : i32
    %rem3A = arith.constant 2 : i32
    %rem3A_57 = arith.remsi %sub3A_56, %rem3A : i32
    %eq3A = arith.constant 0 : i32
    %eq3A_58 = arith.cmpi eq, %rem3A_57, %eq3A : i32
    %convert_element_type3A = arith.extui %eq3A_58 : i1 to i32
    %cond3A = arith.constant 0 : i32
    %cond3A_59 = arith.cmpi ne, %convert_element_type3A, %cond3A : i32
    scf.if %cond3A_59 {
      %dma_wait3A_75 = arith.constant 1 : i32
      %dma_wait3A_76 = arith.constant 0 : i32
      %dma_wait3A_77 = arith.constant 0 : i32
      %dma_wait3A_78 = tpu.memref_slice %arg7[%dma_wait3A_75, %dma_wait3A_76, %dma_wait3A_77] : memref<2x80x128xf32, #tpu.memory_space<vmem>> -> memref<1x80x128xf32, #tpu.memory_space<vmem>>
      %dma_wait3A_79 = tpu.memref_squeeze %dma_wait3A_78 : memref<1x80x128xf32, #tpu.memory_space<vmem>> -> memref<80x128xf32, #tpu.memory_space<vmem>>
      %dma_wait3A_80 = arith.constant 0 : i32
      %dma_wait3A_81 = tpu.memref_slice %arg6[%dma_wait3A_80] : memref<3200xi32, #tpu.memory_space<vmem>> -> memref<80xi32, #tpu.memory_space<vmem>>
      %dma_wait3A_82 = arith.constant 0 : i32
      %dma_wait3A_83 = arith.constant 0 : i32
      %dma_wait3A_84 = tpu.memref_slice %arg11[%dma_wait3A_82, %dma_wait3A_83] : memref<512x128xf32, #tpu.memory_space<vmem_shared>> -> memref<512x128xf32, #tpu.memory_space<vmem_shared>>
      tpu.wait_indirect_dma semaphore(%arg16 : memref<!tpu.dma_semaphore, #tpu.memory_space<semaphore_mem>>) src(%dma_wait3A_79 : memref<80x128xf32, #tpu.memory_space<vmem>>) dst(%dma_wait3A_84 : memref<512x128xf32, #tpu.memory_space<vmem_shared>>)
      %dma_wait3A_85 = arith.constant 0 : i32
      %dma_wait3A_86 = tpu.memref_slice %arg6[%dma_wait3A_85] : memref<3200xi32, #tpu.memory_space<vmem>> -> memref<80xi32, #tpu.memory_space<vmem>>
      %dma_wait3A_87 = arith.constant 0 : i32
      %dma_wait3A_88 = tpu.memref_slice %arg12[%dma_wait3A_87] : memref<512xf32, #tpu.memory_space<vmem_shared>> -> memref<512xf32, #tpu.memory_space<vmem_shared>>
      tpu.wait_indirect_dma semaphore(%arg16 : memref<!tpu.dma_semaphore, #tpu.memory_space<semaphore_mem>>) src(%arg10 : memref<80xf32, #tpu.memory_space<vmem>>) dst(%dma_wait3A_88 : memref<512xf32, #tpu.memory_space<vmem_shared>>)
      %dma_wait3A_89 = arith.constant 0 : i32
      %dma_wait3A_90 = arith.constant 0 : i32
      %dma_wait3A_91 = arith.constant 0 : i32
      %dma_wait3A_92 = tpu.memref_slice %arg7[%dma_wait3A_89, %dma_wait3A_90, %dma_wait3A_91] : memref<2x80x128xf32, #tpu.memory_space<vmem>> -> memref<1x80x128xf32, #tpu.memory_space<vmem>>
      %dma_wait3A_93 = tpu.memref_squeeze %dma_wait3A_92 : memref<1x80x128xf32, #tpu.memory_space<vmem>> -> memref<80x128xf32, #tpu.memory_space<vmem>>
      %dma_wait3A_94 = arith.constant 0 : i32
      %dma_wait3A_95 = tpu.memref_slice %arg6[%dma_wait3A_94] : memref<3200xi32, #tpu.memory_space<vmem>> -> memref<80xi32, #tpu.memory_space<vmem>>
      %dma_wait3A_96 = arith.constant 0 : i32
      %dma_wait3A_97 = arith.constant 0 : i32
      %dma_wait3A_98 = tpu.memref_slice %arg11[%dma_wait3A_96, %dma_wait3A_97] : memref<512x128xf32, #tpu.memory_space<vmem_shared>> -> memref<512x128xf32, #tpu.memory_space<vmem_shared>>
      tpu.wait_indirect_dma semaphore(%arg15 : memref<!tpu.dma_semaphore, #tpu.memory_space<semaphore_mem>>) src(%dma_wait3A_93 : memref<80x128xf32, #tpu.memory_space<vmem>>) dst(%dma_wait3A_98 : memref<512x128xf32, #tpu.memory_space<vmem_shared>>)
      %dma_wait3A_99 = arith.constant 0 : i32
      %dma_wait3A_100 = tpu.memref_slice %arg6[%dma_wait3A_99] : memref<3200xi32, #tpu.memory_space<vmem>> -> memref<80xi32, #tpu.memory_space<vmem>>
      %dma_wait3A_101 = arith.constant 0 : i32
      %dma_wait3A_102 = tpu.memref_slice %arg12[%dma_wait3A_101] : memref<512xf32, #tpu.memory_space<vmem_shared>> -> memref<512xf32, #tpu.memory_space<vmem_shared>>
      tpu.wait_indirect_dma semaphore(%arg15 : memref<!tpu.dma_semaphore, #tpu.memory_space<semaphore_mem>>) src(%arg10 : memref<80xf32, #tpu.memory_space<vmem>>) dst(%dma_wait3A_102 : memref<512xf32, #tpu.memory_space<vmem_shared>>)
    } else {
    }
    %sub3A_60 = arith.constant 1 : i32
    %sub3A_61 = arith.subi %select_n3A, %sub3A_60 : i32
    %rem3A_62 = arith.constant 2 : i32
    %rem3A_63 = arith.remsi %sub3A_61, %rem3A_62 : i32
    %eq3A_64 = arith.constant 1 : i32
    %eq3A_65 = arith.cmpi eq, %rem3A_63, %eq3A_64 : i32
    %convert_element_type3A_66 = arith.extui %eq3A_65 : i1 to i32
    %cond3A_67 = arith.constant 0 : i32
    %cond3A_68 = arith.cmpi ne, %convert_element_type3A_66, %cond3A_67 : i32
    scf.if %cond3A_68 {
      %dma_wait3A_75 = arith.constant 0 : i32
      %dma_wait3A_76 = arith.constant 0 : i32
      %dma_wait3A_77 = arith.constant 0 : i32
      %dma_wait3A_78 = tpu.memref_slice %arg7[%dma_wait3A_75, %dma_wait3A_76, %dma_wait3A_77] : memref<2x80x128xf32, #tpu.memory_space<vmem>> -> memref<1x80x128xf32, #tpu.memory_space<vmem>>
      %dma_wait3A_79 = tpu.memref_squeeze %dma_wait3A_78 : memref<1x80x128xf32, #tpu.memory_space<vmem>> -> memref<80x128xf32, #tpu.memory_space<vmem>>
      %dma_wait3A_80 = arith.constant 0 : i32
      %dma_wait3A_81 = tpu.memref_slice %arg6[%dma_wait3A_80] : memref<3200xi32, #tpu.memory_space<vmem>> -> memref<80xi32, #tpu.memory_space<vmem>>
      %dma_wait3A_82 = arith.constant 0 : i32
      %dma_wait3A_83 = arith.constant 0 : i32
      %dma_wait3A_84 = tpu.memref_slice %arg11[%dma_wait3A_82, %dma_wait3A_83] : memref<512x128xf32, #tpu.memory_space<vmem_shared>> -> memref<512x128xf32, #tpu.memory_space<vmem_shared>>
      tpu.wait_indirect_dma semaphore(%arg15 : memref<!tpu.dma_semaphore, #tpu.memory_space<semaphore_mem>>) src(%dma_wait3A_79 : memref<80x128xf32, #tpu.memory_space<vmem>>) dst(%dma_wait3A_84 : memref<512x128xf32, #tpu.memory_space<vmem_shared>>)
      %dma_wait3A_85 = arith.constant 0 : i32
      %dma_wait3A_86 = tpu.memref_slice %arg6[%dma_wait3A_85] : memref<3200xi32, #tpu.memory_space<vmem>> -> memref<80xi32, #tpu.memory_space<vmem>>
      %dma_wait3A_87 = arith.constant 0 : i32
      %dma_wait3A_88 = tpu.memref_slice %arg12[%dma_wait3A_87] : memref<512xf32, #tpu.memory_space<vmem_shared>> -> memref<512xf32, #tpu.memory_space<vmem_shared>>
      tpu.wait_indirect_dma semaphore(%arg15 : memref<!tpu.dma_semaphore, #tpu.memory_space<semaphore_mem>>) src(%arg10 : memref<80xf32, #tpu.memory_space<vmem>>) dst(%dma_wait3A_88 : memref<512xf32, #tpu.memory_space<vmem_shared>>)
      %dma_wait3A_89 = arith.constant 1 : i32
      %dma_wait3A_90 = arith.constant 0 : i32
      %dma_wait3A_91 = arith.constant 0 : i32
      %dma_wait3A_92 = tpu.memref_slice %arg7[%dma_wait3A_89, %dma_wait3A_90, %dma_wait3A_91] : memref<2x80x128xf32, #tpu.memory_space<vmem>> -> memref<1x80x128xf32, #tpu.memory_space<vmem>>
      %dma_wait3A_93 = tpu.memref_squeeze %dma_wait3A_92 : memref<1x80x128xf32, #tpu.memory_space<vmem>> -> memref<80x128xf32, #tpu.memory_space<vmem>>
      %dma_wait3A_94 = arith.constant 0 : i32
      %dma_wait3A_95 = tpu.memref_slice %arg6[%dma_wait3A_94] : memref<3200xi32, #tpu.memory_space<vmem>> -> memref<80xi32, #tpu.memory_space<vmem>>
      %dma_wait3A_96 = arith.constant 0 : i32
      %dma_wait3A_97 = arith.constant 0 : i32
      %dma_wait3A_98 = tpu.memref_slice %arg11[%dma_wait3A_96, %dma_wait3A_97] : memref<512x128xf32, #tpu.memory_space<vmem_shared>> -> memref<512x128xf32, #tpu.memory_space<vmem_shared>>
      tpu.wait_indirect_dma semaphore(%arg16 : memref<!tpu.dma_semaphore, #tpu.memory_space<semaphore_mem>>) src(%dma_wait3A_93 : memref<80x128xf32, #tpu.memory_space<vmem>>) dst(%dma_wait3A_98 : memref<512x128xf32, #tpu.memory_space<vmem_shared>>)
      %dma_wait3A_99 = arith.constant 0 : i32
      %dma_wait3A_100 = tpu.memref_slice %arg6[%dma_wait3A_99] : memref<3200xi32, #tpu.memory_space<vmem>> -> memref<80xi32, #tpu.memory_space<vmem>>
      %dma_wait3A_101 = arith.constant 0 : i32
      %dma_wait3A_102 = tpu.memref_slice %arg12[%dma_wait3A_101] : memref<512xf32, #tpu.memory_space<vmem_shared>> -> memref<512xf32, #tpu.memory_space<vmem_shared>>
      tpu.wait_indirect_dma semaphore(%arg16 : memref<!tpu.dma_semaphore, #tpu.memory_space<semaphore_mem>>) src(%arg10 : memref<80xf32, #tpu.memory_space<vmem>>) dst(%dma_wait3A_102 : memref<512xf32, #tpu.memory_space<vmem_shared>>)
    } else {
    }
    %barrier3A_69 = arith.constant 0 : index
    tpu.barrier barrier_id(%barrier3A_69)
    %eq3A_70 = arith.constant 0 : i32
    %eq3A_71 = arith.cmpi eq, %arg1, %eq3A_70 : i32
    %convert_element_type3A_72 = arith.extui %eq3A_71 : i1 to i32
    %cond3A_73 = arith.constant 0 : i32
    %cond3A_74 = arith.cmpi ne, %convert_element_type3A_72, %cond3A_73 : i32
    scf.if %cond3A_74 {
      "tpu.region"() ({
        %run_scoped3A = tpu.sem_alloc : memref<!tpu.dma_semaphore, #tpu.memory_space<semaphore_mem>>
        %dma_start3A_77 = arith.constant 0 : i32
        %dma_start3A_78 = arith.constant 0 : i32
        %dma_start3A_79 = tpu.memref_slice %arg4[%arg0, %dma_start3A_77, %dma_start3A_78] : memref<2x512x128xf32, #tpu.memory_space<hbm>> -> memref<1x512x128xf32, #tpu.memory_space<hbm>>
        %dma_start3A_80 = tpu.memref_squeeze %dma_start3A_79 : memref<1x512x128xf32, #tpu.memory_space<hbm>> -> memref<512x128xf32, #tpu.memory_space<hbm>>
        tpu.enqueue_dma source(%arg11 : memref<512x128xf32, #tpu.memory_space<vmem_shared>>) target(%dma_start3A_80 : memref<512x128xf32, #tpu.memory_space<hbm>>) target_semaphore(%run_scoped3A : memref<!tpu.dma_semaphore, #tpu.memory_space<semaphore_mem>>)
        %dma_wait3A_81 = arith.constant 0 : i32
        %dma_wait3A_82 = arith.constant 0 : i32
        %dma_wait3A_83 = tpu.memref_slice %arg4[%arg0, %dma_wait3A_81, %dma_wait3A_82] : memref<2x512x128xf32, #tpu.memory_space<hbm>> -> memref<1x512x128xf32, #tpu.memory_space<hbm>>
        %dma_wait3A_84 = tpu.memref_squeeze %dma_wait3A_83 : memref<1x512x128xf32, #tpu.memory_space<hbm>> -> memref<512x128xf32, #tpu.memory_space<hbm>>
        tpu.wait_dma2 semaphore(%run_scoped3A : memref<!tpu.dma_semaphore, #tpu.memory_space<semaphore_mem>>) src(%arg11 : memref<512x128xf32, #tpu.memory_space<vmem_shared>>) dst(%dma_wait3A_84 : memref<512x128xf32, #tpu.memory_space<hbm>>)
        tpu.yield
      }) : () -> ()
      %mul3A_75 = arith.constant 512 : i32
      %mul3A_76 = arith.muli %arg0, %mul3A_75 : i32
      "tpu.region"() ({
        %run_scoped3A = tpu.sem_alloc : memref<!tpu.dma_semaphore, #tpu.memory_space<semaphore_mem>>
        %dma_start3A_77 = tpu.memref_slice %arg5[%mul3A_76] : memref<1024xf32, #tpu.memory_space<hbm>> -> memref<512xf32, #tpu.memory_space<hbm>>
        tpu.enqueue_dma source(%arg12 : memref<512xf32, #tpu.memory_space<vmem_shared>>) target(%dma_start3A_77 : memref<512xf32, #tpu.memory_space<hbm>>) target_semaphore(%run_scoped3A : memref<!tpu.dma_semaphore, #tpu.memory_space<semaphore_mem>>)
        %dma_wait3A_78 = tpu.memref_slice %arg5[%mul3A_76] : memref<1024xf32, #tpu.memory_space<hbm>> -> memref<512xf32, #tpu.memory_space<hbm>>
        tpu.wait_dma2 semaphore(%run_scoped3A : memref<!tpu.dma_semaphore, #tpu.memory_space<semaphore_mem>>) src(%arg12 : memref<512xf32, #tpu.memory_space<vmem_shared>>) dst(%dma_wait3A_78 : memref<512xf32, #tpu.memory_space<hbm>>)
        tpu.yield
      }) : () -> ()
    } else {
    }
    return
  }
}

module attributes {stable_mosaic.version = 14 : i64} {
  func.func @_merge_body(%arg0: i32, %arg1: memref<2x256x128xf32, #tpu.memory_space<vmem>>, %arg2: memref<2x256xf32, #tpu.memory_space<vmem>>, %arg3: memref<256x128xf32, #tpu.memory_space<vmem>>) attributes {dimension_semantics = [#tpu.dimension_semantics<arbitrary>], iteration_bounds = array<i64: 2>, scalar_prefetch = 0 : i64, scratch_operands = 0 : i64, tpu.core_type = #tpu.core_type<tc>, window_params = [{transform_indices = @transform_0, window_bounds = array<i64: 2, 256, 128>}, {transform_indices = @transform_1, window_bounds = array<i64: 2, 256>}, {transform_indices = @transform_2, window_bounds = array<i64: 256, 128>}]} {
    %get3A = arith.constant 0 : index
    %get3A_0 = arith.constant 0 : index
    %get3A_1 = arith.constant 0 : index
    %get3A_2 = vector.load %arg1[%get3A, %get3A_0, %get3A_1] : memref<2x256x128xf32, #tpu.memory_space<vmem>>, vector<1x256x128xf32>
    %get3A_3 = vector.shape_cast %get3A_2 : vector<1x256x128xf32> to vector<256x128xf32>
    %get3A_4 = arith.constant 1 : index
    %get3A_5 = arith.constant 0 : index
    %get3A_6 = arith.constant 0 : index
    %get3A_7 = vector.load %arg1[%get3A_4, %get3A_5, %get3A_6] : memref<2x256x128xf32, #tpu.memory_space<vmem>>, vector<1x256x128xf32>
    %get3A_8 = vector.shape_cast %get3A_7 : vector<1x256x128xf32> to vector<256x128xf32>
    %add3A = arith.addf %get3A_3, %get3A_8 : vector<256x128xf32>
    %get3A_9 = arith.constant 0 : index
    %get3A_10 = arith.constant 0 : index
    %get3A_11 = vector.load %arg2[%get3A_9, %get3A_10] : memref<2x256xf32, #tpu.memory_space<vmem>>, vector<1x256xf32>
    %get3A_12 = vector.shape_cast %get3A_11 : vector<1x256xf32> to vector<256xf32>
    %get3A_13 = arith.constant 1 : index
    %get3A_14 = arith.constant 0 : index
    %get3A_15 = vector.load %arg2[%get3A_13, %get3A_14] : memref<2x256xf32, #tpu.memory_space<vmem>>, vector<1x256xf32>
    %get3A_16 = vector.shape_cast %get3A_15 : vector<1x256xf32> to vector<256xf32>
    %add3A_17 = arith.addf %get3A_12, %get3A_16 : vector<256xf32>
    %max3A = arith.constant 1.000000e+00 : f32
    %max3A_18 = vector.broadcast %max3A : f32 to vector<256xf32>
    %max3A_19 = arith.maximumf %add3A_17, %max3A_18 : vector<256xf32>
    %broadcast_in_dim3A = vector.shape_cast %max3A_19 : vector<256xf32> to vector<256x1xf32>
    %div3A = vector.broadcast %broadcast_in_dim3A : vector<256x1xf32> to vector<256x128xf32>
    %div3A_20 = arith.divf %add3A, %div3A : vector<256x128xf32>
    %swap3A = arith.constant 0 : index
    %swap3A_21 = arith.constant 0 : index
    %swap3A_22 = vector.load %arg3[%swap3A, %swap3A_21] : memref<256x128xf32, #tpu.memory_space<vmem>>, vector<256x128xf32>
    tpu.vector_store %arg3[%swap3A, %swap3A_21], %div3A_20 {strides = array<i32>} : memref<256x128xf32, #tpu.memory_space<vmem>>, vector<256x128xf32>,
    return
  }
  func.func @transform_0(%arg0: i32) -> (i32, i32, i32) {
    %c0_i32 = arith.constant 0 : i32
    %c0_i32_0 = arith.constant 0 : i32
    %c0_i32_1 = arith.constant 0 : i32
    return %c0_i32, %arg0, %c0_i32_0 : i32, i32, i32
  }
  func.func @transform_1(%arg0: i32) -> (i32, i32) {
    %c0_i32 = arith.constant 0 : i32
    %c0_i32_0 = arith.constant 0 : i32
    return %c0_i32, %arg0 : i32, i32
  }
  func.func @transform_2(%arg0: i32) -> (i32, i32) {
    %c0_i32 = arith.constant 0 : i32
    %c0_i32_0 = arith.constant 0 : i32
    return %arg0, %c0_i32 : i32, i32
  }
}

</mosaic_0001>

<sc_bundles>
// kernel: kernel.4.cloned.1.call-start
scs
__scs_entry_jumppad:
0x0: {  	(pc) =	sbr.rel $0x88, $3  }
0x1: {  	(tag) =	ssettag $0x0;
	lr =	simm.s32 $0x1  }
0x2: {  	[smem:$0x3F9F] =	sst lr;
	_ =	strace $0xD0000000  }
0x3: {  	_ = 	snop  }
0x4: {  	_ = 	snop  }
0x5: {  	_ = 	snop  }
0x6: {  	_ = 	snop  }
0x7: {  	_ = 	snop  }
__scs_overlays_trampoline_lowered:
0x8: {  	[smem:$0x3FAE] =	sst s0  }
0x9: {  	[smem:$0x3FAF] =	sst s1  }
0xa: {  	[smem:$0x3FB0] =	sst s2  }
0xb: {  	[smem:$0x3FB1] =	sst s3  }
0xc: {  	[smem:$0x3FB2] =	sst s4  }
0xd: {  	[smem:$0x3FB3] =	sst s5  }
0xe: {  	[smem:$0x3FB4] =	sst s6  }
0xf: {  	[smem:$0x3FB5] =	sst s7  }
0x10: {  	[smem:$0x3FB6] =	sst s8  }
0x11: {  	[smem:$0x3FB7] =	sst s9;
	s0 =	simm.s32 @!p0 $0x0  }
0x12: {  	s1 =	sld [smem:$0x3F9D];
	s0 =	simm.s32 @p0 $0x1  }
0x13: {  	[smem:$0x3FB8] =	sst s0;
	s0 =	simm.s32 @!p1 $0x0  }
0x14: {  	s2 =	sld [smem:$0x3F9C];
	s0 =	simm.s32 @p1 $0x1  }
0x15: {  	[smem:$0x3FB9] =	sst s0;
	s0 =	simm.s32 @!p2 $0x0  }
0x16: {  	s3 =	sld [smem:$0x3FDB];
	s0 =	simm.s32 @p2 $0x1  }
0x17: {  	s4 =	simm.s32 $0x1BF5;
	[smem:$0x3FBB] =	sst s0  }
0x18: {  	s0 =	sld [smem:$0x3F9E];
	_ =	swait.ge [sflag:s4], $0x0  }
0x19: {  	s7 =	sld [smem:$0x3F9F]  }
0x1a: {  	s8 =	sadd.s32 $0xFFFFE003, lr  }
0x1b: {  	s9 =	sadd.s32 $0xFFFFFEF7, lr;
	s5 =	simm.s32 $0xFFFFFFFF;
	p2 =	slt.u32 s8, $0xFFFFF086  }
0x1c: {  	p1 =	slt.u32 s9, $0xF7A;
	s5 =	simm.s32 @!p2 $0x0  }
0x1d: {  	s5 =	simm.s32 @p1 $0x1;
	p0 =	seq.s32 s7, s2  }
0x1e: {  	s7 =	smul.u32 @!p0 $0xF7A, s2;
	p2 =	seq.s32 @!p0 s5, $0x0  }
0x1f: {  	s9 =	smul.u32 $0xF7A, s1;
	s8 =	simm.s32 @!p0 $0x1BF5;
	p2 =	por !p2, p0  }
0x20: {  	[sflag:s8] =	ssyncset.s32 @!p0 $0xFFFFF086;
	s6 =	sadd.s32 @!p0 s3, s7;
	s7 =	simm.s32 @!p0 $0x108  }
0x21: {  	s3 =	sadd.s32 s3, s9;
	s6 =	sadd.s32 @!p0 $0x88, s6;
	s7 =	simm.s32 @p2 $0x1082  }
0x22: {  	[simem:s7], [sflag:s8] =	dma.local @!p0 [hbm:s6], $0xF7A  }
0x23: {  	s9 =	sor.u32 $0xD0000000, s2;
	s6 =	simm.s32 $0x108;
	_ =	swait.ge @!p0 [sflag:s8], $0x0  }
0x24: {  	s3 =	sadd.s32 $0x88, s3;
	s6 =	simm.s32 @!p1 $0x1082;
	[sflag:s4] =	ssyncset.s32 $0xFFFFF086  }
0x25: {  	[simem:s6], [sflag:s4] =	dma.local [hbm:s3], $0xF7A  }
0x26: {  	[smem:$0x3F9F] =	sst s1;
	(tag) =	ssettag s2;
	_ =	strace s9  }
0x27: {  	s1 =	sld [smem:$0x3FAF]  }
0x28: {  	s2 =	sld [smem:$0x3FB0]  }
0x29: {  	s4 =	sld [smem:$0x3FB2]  }
0x2a: {  	p0 =	seq.s32 s5, $0x0;
	s5 =	sld [smem:$0x3FB3]  }
0x2b: {  	s6 =	sld [smem:$0x3FB4]  }
0x2c: {  	s7 =	sld [smem:$0x3FB5]  }
0x2d: {  	s3 =	simm.s32 $0x108;
	s8 =	sld [smem:$0x3FB6]  }
0x2e: {  	s3 =	simm.s32 @!p0 $0x1082;
	s9 =	sld [smem:$0x3FB7]  }
0x2f: {  	lr =	sadd.s32 s0, s3;
	s0 =	sld [smem:$0x3FAE]  }
0x30: {  	s3 =	sld [smem:$0x3FB1]  }
0x31: {  	[smem:$0x3FBA] =	sst s10  }
0x32: {  	s10 =	sld [smem:$0x3FB8];
	_ =	sdelay $0x3  }
0x33: {  	p0 =	seq.s32 s10, $0x1;
	s10 =	sld [smem:$0x3FBA];
	_ =	sdelay $0x3  }
0x34: {  	[smem:$0x3FBA] =	sst s10  }
0x35: {  	s10 =	sld [smem:$0x3FB9];
	_ =	sdelay $0x3  }
0x36: {  	p1 =	seq.s32 s10, $0x1;
	s10 =	sld [smem:$0x3FBA];
	_ =	sdelay $0x3  }
0x37: {  	[smem:$0x3FBA] =	sst s10  }
0x38: {  	s10 =	sld [smem:$0x3FBB]  }
0x39: {  	_ = 	snop;
	(pc) =	sbr.ind lr, $3  }
0x3a: {  	_ = 	snop  }
0x3b: {  	_ = 	snop  }
0x3c: {  	p2 =	seq.s32 s10, $0x1;
	s10 =	sld [smem:$0x3FBA]  }
0x3d: {  	_ =	shalt  }
0x3e: {  	_ =	shalt  }
0x3f: {  	_ =	shalt  }
0x40: {  	_ =	shalt  }
0x41: {  	_ =	shalt  }
0x42: {  	_ =	shalt  }
0x43: {  	_ =	shalt  }
0x44: {  	_ =	shalt  }
0x45: {  	_ =	shalt  }
0x46: {  	_ =	shalt  }
0x47: {  	_ =	shalt  }
0x48: {  	_ =	shalt  }
0x49: {  	_ =	shalt  }
0x4a: {  	_ =	shalt  }
0x4b: {  	_ =	shalt  }
0x4c: {  	_ =	shalt  }
0x4d: {  	_ =	shalt  }
0x4e: {  	_ =	shalt  }
0x4f: {  	_ =	shalt  }
0x50: {  	_ =	shalt  }
0x51: {  	_ =	shalt  }
0x52: {  	_ =	shalt  }
0x53: {  	_ =	shalt  }
0x54: {  	_ =	shalt  }
0x55: {  	_ =	shalt  }
0x56: {  	_ =	shalt  }
0x57: {  	_ =	shalt  }
0x58: {  	_ =	shalt  }
0x59: {  	_ =	shalt  }
0x5a: {  	_ =	shalt  }
0x5b: {  	_ =	shalt  }
0x5c: {  	_ =	shalt  }
0x5d: {  	_ =	shalt  }
0x5e: {  	_ =	shalt  }
0x5f: {  	_ =	shalt  }
0x60: {  	_ =	shalt  }
0x61: {  	_ =	shalt  }
0x62: {  	_ =	shalt  }
0x63: {  	_ =	shalt  }
0x64: {  	_ =	shalt  }
0x65: {  	_ =	shalt  }
0x66: {  	_ =	shalt  }
0x67: {  	_ =	shalt  }
0x68: {  	_ =	shalt  }
0x69: {  	_ =	shalt  }
0x6a: {  	_ =	shalt  }
0x6b: {  	_ =	shalt  }
0x6c: {  	_ =	shalt  }
0x6d: {  	_ =	shalt  }
0x6e: {  	_ =	shalt  }
0x6f: {  	_ =	shalt  }
0x70: {  	_ =	shalt  }
0x71: {  	_ =	shalt  }
0x72: {  	_ =	shalt  }
0x73: {  	_ =	shalt  }
0x74: {  	_ =	shalt  }
0x75: {  	_ =	shalt  }
0x76: {  	_ =	shalt  }
0x77: {  	_ =	shalt  }
0x78: {  	_ =	shalt  }
0x79: {  	_ =	shalt  }
0x7a: {  	_ =	shalt  }
0x7b: {  	_ =	shalt  }
0x7c: {  	_ =	shalt  }
0x7d: {  	_ =	shalt  }
0x7e: {  	_ =	shalt  }
0x7f: {  	_ =	shalt  }
0x80: {  	_ =	shalt  }
0x81: {  	_ =	shalt  }
0x82: {  	_ =	shalt  }
0x83: {  	_ =	shalt  }
0x84: {  	_ =	shalt  }
0x85: {  	_ =	shalt  }
0x86: {  	_ =	shalt  }
0x87: {  	_ =	shalt  }
.Lfunc_end0:
.L_simem_size_0:
called_computation_lowered:
.L_overlay_start_0:
0x88: {  	s2 =	sld [smem:$0x3FD9]  }
0x89: {  	s3 =	sld [smem:$0x3FFE];
	_ =	sdelay $0x1  }
0x8a: {  	s1 =	srdreg.scid  }
0x8b: {  	s0 =	sand.u32 $0x1, s1  }
0x8c: {  	s17 =	sshll.u32 s0, $0xA;
	s2 =	sadd.s32 s3, s2  }
0x8d: {  	s2 =	sadd.s32 s2, s17  }
0x8e: {  	[smem:$0x3FC6] =	sst s2  }
0x8f: {  	_ = 	snop  }
0x90: {  	s2 =	sld [smem:$0x3FC9]  }
0x91: {  	s18 =	sld [smem:$0x3FD0];
	(tm) =	ssettm $0x1  }
0x92: {  	s4 =	sld [smem:$0x3FFB];
	_ =	sdelay $0x3  }
0x93: {  	_ =	strace s4  }
0x94: {  	s4 =	sld [smem:$0x3FFC];
	_ =	sdelay $0x3  }
0x95: {  	_ =	strace s4  }
0x96: {  	s4 =	sld [smem:$0x3FFD];
	_ =	sdelay $0x3  }
0x97: {  	_ =	strace s4  }
0x98: {  	_ =	strace $0x8FFFFFFF  }
0x99: {  	s19 =	sld [smem:$0x3FDB];
	_ =	sdelay $0x1  }
0x9a: {  	s5 =	simm.s32 $_scs_section_size  }
0x9b: {  	s6 =	simm.s32 $_size__tile_overlayer_lowered;
	s7 =	simm.s32 $_tile_overlayer_lowered  }
0x9c: {  	s22 =	simm.s32 $0x1BFF;
	s21 =	sshll.u32 s7, $0x1;
	s4 =	sadd.s32 s5, s19  }
0x9d: {  	s8 =	simm.s32 $0x0;
	s20 =	sshll.u32 s6, $0x1;
	s6 =	sadd.s32 s21, s4  }
0x9e: {  	[timem:s8], [sflag:s22] =	dma.local [hbm:s6], s20  }
0x9f: {  	_ =	swait.ge [sflag:s22], s20  }
0xa0: {  	s5 =	ssub.s32 $0x0, s20;
	[sflag:s22] =	ssyncset.done $0x0  }
0xa1: {  	[sflag:s22] =	ssyncadd.s32 s5;
	_ =	sdelay $0x1  }
0xa2: {  	s23 =	simm.s32 $0x1B8B  }
0xa3: {  	_ =	swait.ge [sflag:s23], $0x1  }
0xa4: {  	[sflag:s23] =	ssyncset.done $0x0  }
0xa5: {  	s25 =	simm.s32 $0x1B8E;
	s24 =	sld [smem:$0x3FFE];
	[sflag:s23] =	ssyncadd.s32 $0xFFFFFFFF  }
0xa6: {  	s26 =	simm.s32 $execute0_lowered;
	[smem:$0x3FD2] =	sst s25  }
0xa7: {  	s6 =	sshll.u32 s26, $0x1;
	_ =	strace $0x80000046;
	[dreg:$0x1] =	wrdreg $0xFFFFFFFF  }
0xa8: {  	s28 =	simm.s32 $_size_execute0_lowered;
	s4 =	sadd.s32 s4, s6;
	[dreg:$0x0] =	wrdreg $0x0  }
0xa9: {  	s6 =	sshll.u32 s28, $0x1;
	[dreg:$0x2] =	wrdreg s4  }
0xaa: {  	[dreg:$0x3] =	wrdreg s6  }
0xab: {  	[dreg:$0x4] =	wrdreg $0xC0  }
0xac: {  	_ =	task [dreg:s8], $0x5FFFF  }
0xad: {  	[dreg:$0x1] =	wrdreg $0xFFFFFFFF  }
0xae: {  	[dreg:$0x0] =	wrdreg $0x60  }
0xaf: {  	[dreg:$0x2] =	wrdreg s2  }
0xb0: {  	[dreg:$0x3] =	wrdreg s24  }
0xb1: {  	[dreg:$0x4] =	wrdreg s18  }
0xb2: {  	[dreg:$0x5] =	wrdreg $0x6D800  }
0xb3: {  	[dreg:$0x6] =	wrdreg $0x7D800  }
0xb4: {  	[dreg:$0x7] =	wrdreg $0x9  }
0xb5: {  	_ =	task.clear_ibuf [dreg:s8], $0x8FFFF;
	_ =	strace $0x90000046  }
0xb6: {  	s29 =	simm.s32 $0x9;
	_ =	strace $0x80000048  }
0xb7: {  	_ =	swait.ge [sflag:s29], $0x1  }
0xb8: {  	[sflag:s29] =	ssyncadd.s32 $0xFFFFFFFF  }
0xb9: {  	_ =	strace $0x90000048  }
0xba: {  	_ =	sfence  }
0xbb: {  	s30 =	sld [smem:$0x0];
	_ =	sdelay $0x2  }
0xbc: {  	s31 =	sshll.u32 s1, $0xD;
	s1 =	sshrl.u32 s1, $0x2  }
0xbd: {  	s3 =	sand.u32 $0x4000, s31;
	s1 =	sadd.s32 s1, s30  }
0xbe: {  	s0 =	sor.u32 s3, s0;
	s1 =	sshll.u32 s1, $0x11  }
0xbf: {  	s0 =	sor.u32 s1, s0  }
0xc0: {  	s0 =	sadd.s32 $0x8F2B, s0  }
0xc1: {  	[sflag:s0] =	ssyncadd.remote.s32 $0x1  }
0xc2: {  	_ =	sfence.sel $0xFFFF  }
0xc3: {  	[dreg:$0x0] =	wrdreg $0xFFFFFFFF;
	(pc) =	sbr.abs _section_cstart, $3  }
0xc4: {  	[dreg:$0x1] =	wrdreg $0xFFFFFFFF  }
0xc5: {  	_ =	task.clear_ibuf [dreg:s8], $0x2FFFF;
	_ =	strace $0x9FFFFFFF  }
0xc6: {  	(tm) =	ssettm $0x7FFFFFFF  }
0xc7: {  	_ =	shalt  }
tec
execute0_lowered:
.L_overlay_start_1:
0x0: {  	(tag) =	ssettag $0x1  }
0x1: {  	s0 =	rddreg [dreg:$0x0]  }
0x2: {  	s1 =	srdreg.scid;
	s4 =	rddreg [dreg:$0x1]  }
0x3: {  	s24 =	stileid.u32;
	s10 =	rddreg [dreg:$0x2]  }
0x4: {  	s2 =	rddreg [dreg:$0x4];
	s18 =	simm.s32 $0x6;
	s12 =	sand.u32 $0x1, s1  }
0x5: {  	s20 =	sshll.u32 s24, $0x1;
	s1 =	rddreg [dreg:$0x3];
	p0 =	seq.s32 s24, $0x0  }
0x6: {  	s22 =	sshll.u32 s24, $0xC;
	s23 =	sshll.u32 s24, $0x5;
	s26 =	smul.u32 $0x18600, s24  }
0x7: {  	s3 =	sor.u32 s12, s20;
	s6 =	sshll.u32 s12, $0xD;
	s7 =	ssub.s32 $0x2, s12  }
0x8: {  	s25 =	sshll.u32 s12, $0x6;
	s29 =	smul.u32 $0xC300, s12;
	s20 =	simm.s32 $0x5  }
0x9: {  	s5 =	smul.u32 $0x27, s3;
	s13 =	smin.u32 s3, $0x2;
	s3 =	simm.s32 $0x0  }
0xa: {  	s11 =	sadd.s32 s6, s4;
	s21 =	sshrl.u32 s7, $0x1;
	s10 =	sadd.s32 s10, s25  }
0xb: {  	[smem:$0x7FF] =	sst s3;
	s31 =	smul.u32 $0x500, s13;
	s9 =	sadd.s32 s13, s5  }
0xc: {  	s14 =	ssub.s32 s7, s21;
	s7 =	sadd.s32 s22, s1;
	s5 =	smul.u32 $0xA, s9  }
0xd: {  	s21 =	simm.s32 $0x3480;
	s22 =	simm.s32 $0x1;
	s8 =	smul.u32 $0x500, s9  }
0xe: {  	_ =	strace $0x80000047;
	s13 =	simm.s32 $0x4;
	s16 =	smul.u32 $0x2800, s9  }
0xf: {  	s9 =	sadd.s32 $0x3C00, s11;
	s11 =	smax.u32 s14, $0x1;
	s14 =	simm.s32 $0x3  }
0x10: {  	s5 =	sadd.s32 s5, s4;
	s4 =	simm.s32 $0x28;
	s6 =	sadd.s32 s0, s8  }
0x11: {  	s8 =	sadd.s32 s23, s2;
	s28 =	sshrl.u32 s16, $0x3;
	s16 =	simm.s32 $0xC80  }
0x12: {  	s23 =	simm.s32 $0x6D00;
	s4 =	simm.s32 @!p0 $0x27;
	s5 =	sadd.s32 $0xA00, s5  }
0x13: {  	s30 =	sadd.s32 s0, s28;
	s0 =	sadd.s32 s26, s0;
	s15 =	sand.u32 $0x1, s4  }
0x14: {  	s12 =	sadd.s32 $0x500, s30;
	s0 =	sadd.s32 s29, s0;
	p0 =	seq.s32 s15, $0x1  }
0x15: {  	s0 =	sadd.s32 s31, s0;
	s13 =	simm.s32 @!p0 $0x3;
	s14 =	simm.s32 @!p0 $0x4  }
0x16: {  	v0 =	vimm.f32 $1.000000000e+00;
	v1 =	vimm.f32 $0.0e+00;
	s15 =	sadd.s32 $0xA00, s0;
	p0 =	sne.s32 s24, $0x0;
	s24 =	simm.s32 $0x0  }
.LBB2_1:
0x17: {  	[tilespmem:s3], [sflag:$0x5] =	stream.linear.gather [hbm4b:s5+s3], $0xC80, $0x38;
	[tilespmem:$0x7DA0] =	vst v63  }
0x18: {  	_ = 	snop  }
0x19: {  	[tilespmem:s16], [sflag:$0x1] =	stream.linear.gather [hbm4b:s6+s3], $0x2800, $0x38;
	[tilespmem:$0x7DA0] =	vst v63  }
0x1a: {  	[tilespmem:$0x6D00] =	vst v0  }
0x1b: {  	[tilespmem:$0x6D10] =	vst v0  }
0x1c: {  	s0 =	sand.u32 $0x3E00, s3;
	[tilespmem:$0x6D20] =	vst v0  }
0x1d: {  	s25 =	sand.u32 $0x70, s3;
	s26 =	sshrl.u32 s0, $0x2;
	[tilespmem:$0x6D30] =	vst v0  }
0x1e: {  	s0 =	simm.s32 $0x40;
	s26 =	sor.u32 s25, s26;
	s25 =	simm.s32 $0x0;
	[tilespmem:$0x6D40] =	vst v0  }
.LBB2_2:
0x1f: {  	p1 =	sne.s32 s0, $0x3FC0  }
0x20: {  	[tilespmem:s26+$0x5C80] =	vst v1;
	s25 =	sadd.s32 $0x10, s25;
	s26 =	smov.u32 s0;
	s0 =	sadd.s32 $0x40, s0  }
.Ltmp0:
0x21: {  	(pc) =	sbr.rel @p1 .LBB2_2-.Ltmp0, $4  }
0x22: {  	_ = 	snop  }
0x23: {  	s26 =	sand.u32 $0x3E00, s26  }
0x24: {  	s28 =	sand.u32 $0x70, s25;
	s26 =	sshrl.u32 s26, $0x2  }
0x25: {  	s26 =	sor.u32 s28, s26  }
0x26: {  	[tilespmem:s26+$0x5C80] =	vst v1  }
0x27: {  	[tilespmem:$0x6C80] =	vst v1  }
0x28: {  	s0 =	simm.s32 $0x5C80;
	[tilespmem:$0x6C90] =	vst v1  }
0x29: {  	[spmem:s7] =	stream.linear.scatter [tilespmem:s0], [sflag:$0x6], $0x1000, $0x38;
	[tilespmem:$0x7DA0] =	vst v63  }
0x2a: {  	_ =	swait.ge [sflag:s18], $0x1000  }
0x2b: {  	[sflag:s18] =	ssyncset.done $0x0  }
0x2c: {  	s29 =	simm.s32 $0x6C80;
	[sflag:s18] =	ssyncadd.s32 $0xFFFFF000  }
0x2d: {  	[spmem:s8] =	stream.linear.scatter [tilespmem:s29], [sflag:$0x6], $0x20, $0x38;
	[tilespmem:$0x7DA0] =	vst v63  }
0x2e: {  	_ =	swait.ge [sflag:s18], $0x20  }
0x2f: {  	[sflag:s18] =	ssyncset.done $0x0  }
0x30: {  	[sflag:s18] =	ssyncadd.s32 $0xFFFFFFE0  }
0x31: {  	_ =	swait.ge [sflag:s20], $0xC80  }
0x32: {  	[sflag:s20] =	ssyncset.done $0x0  }
0x33: {  	[sflag:s20] =	ssyncadd.s32 $0xFFFFF380  }
0x34: {  	[bflag:$0x0] =	sbarrier.arrive $0xFFFF  }
0x35: {  	[tilespmem:s21], [sflag:$0x2] =	stream.linear.gather [hbm4b:s12+s3], $0x2800, $0x38;
	[tilespmem:$0x7DA0] =	vst v63  }
0x36: {  	p1 =	sne.s32 s4, $0x3;
	_ =	swait.ge [sflag:s22], $0x2800  }
.Ltmp1:
0x37: {  	[sflag:s22] =	ssyncset.done $0x0;
	(pc) =	sbr.rel @!p1 .LBB2_4-.Ltmp1, $4  }
0x38: {  	s25 =	simm.s32 $0x50;
	s30 =	simm.s32 $0x2;
	[sflag:s22] =	ssyncadd.s32 $0xFFFFD800  }
0x39: {  	[spmem:s1] =	stream.indirect.scatter.add.f32 [tilespmem:s16], [sflag:$0x3], $0x80, s3, s25, $0xb8;
	[tilespmem:$0x7DA0] =	vst v63  }
0x3a: {  	s26 =	simm.s32 $0x3;
	p2 =	por $0x0, $0x0;
	s31 =	sand.u32 $0x1, s30  }
0x3b: {  	[spmem:s2] =	stream.indirect.scatter.add.f32 [tilespmem:s23], [sflag:$0x3], $0x1, s3, s25, $0xb8;
	[tilespmem:$0x7DA0] =	vst v63  }
0x3c: {  	p2 =	seq.s32 s31, $0x0  }
0x3d: {  	s0 =	simm.s32 @p2 $0x3  }
0x3e: {  	_ =	swait.ge @p2 [sflag:s0], $0x2800  }
0x3f: {  	p1 =	por p2, p2;
	[sflag:s0] =	ssyncset.done @p2 $0x0  }
0x40: {  	[sflag:s0] =	ssyncadd.s32 @p1 $0xFFFFD800  }
0x41: {  	_ =	swait.ge @p1 [sflag:s0], $0x50  }
0x42: {  	s28 =	simm.s32 @p1 $0x2;
	[sflag:s0] =	ssyncset.done @p1 $0x0  }
0x43: {  	s29 =	simm.s32 @p1 $0xC80;
	[sflag:s0] =	ssyncadd.s32 @p1 $0xFFFFFFB0;
	s0 =	simm.s32 @p1 $0x0  }
0x44: {  	[tilespmem:s29], [sflag:$0x1] =	stream.linear.gather @p1 [hbm4b:s15+s0], $0x2800, $0x38;
	[tilespmem:$0x7DA0] =	vst v63  }
0x45: {  	_ =	swait.ge @p1 [sflag:s28], $0x2800  }
0x46: {  	[sflag:s28] =	ssyncset.done @p1 $0x0  }
0x47: {  	s0 =	simm.s32 @p1 $0x50;
	[sflag:s28] =	ssyncadd.s32 @p1 $0xFFFFD800;
	s28 =	simm.s32 @p1 $0x3480  }
0x48: {  	[spmem:s1] =	stream.indirect.scatter.add.f32 @p1 [tilespmem:s28], [sflag:$0x4], $0x80, s25, s0, $0xb8;
	[tilespmem:$0x7DA0] =	vst v63  }
0x49: {  	s29 =	simm.s32 @!p1 $0x4;
	s28 =	simm.s32 @p1 $0x6D00  }
0x4a: {  	[spmem:s2] =	stream.indirect.scatter.add.f32 @p1 [tilespmem:s28], [sflag:$0x4], $0x1, s25, s0, $0xb8;
	[tilespmem:$0x7DA0] =	vst v63  }
0x4b: {  	_ =	swait.ge @!p1 [sflag:s29], $0x2800  }
0x4c: {  	[sflag:s29] =	ssyncset.done @!p1 $0x0  }
0x4d: {  	[sflag:s29] =	ssyncadd.s32 @!p1 $0xFFFFD800  }
0x4e: {  	_ =	swait.ge @!p1 [sflag:s29], $0x50  }
0x4f: {  	p3 =	sne.s32 s4, $0x4;
	s0 =	simm.s32 @!p1 $0x1;
	[sflag:s29] =	ssyncset.done @!p1 $0x0  }
0x50: {  	s28 =	simm.s32 @!p1 $0x0;
	[sflag:s29] =	ssyncadd.s32 @!p1 $0xFFFFFFB0;
	s29 =	simm.s32 @!p1 $0x3480  }
0x51: {  	[tilespmem:s29], [sflag:$0x2] =	stream.linear.gather @!p1 [hbm4b:s15+s28], $0x2800, $0x38;
	[tilespmem:$0x7DA0] =	vst v63  }
.Ltmp2:
0x52: {  	s31 =	sand.u32 $0x1, s26;
	_ =	swait.ge @!p1 [sflag:s0], $0x2800;
	(pc) =	sbr.rel @!p3 .LBB2_6-.Ltmp2, $4  }
0x53: {  	s30 =	simm.s32 $0xA0;
	s26 =	smov.u32 s15;
	[sflag:s0] =	ssyncset.done @!p1 $0x0  }
0x54: {  	s28 =	simm.s32 @!p1 $0xC80;
	[sflag:s0] =	ssyncadd.s32 @!p1 $0xFFFFD800;
	s0 =	simm.s32 @!p1 $0x50  }
0x55: {  	[spmem:s1] =	stream.indirect.scatter.add.f32 @!p1 [tilespmem:s28], [sflag:$0x3], $0x80, s25, s0, $0xb8;
	[tilespmem:$0x7DA0] =	vst v63  }
0x56: {  	s29 =	simm.s32 $0x4;
	s28 =	simm.s32 @!p2 $0x6D00;
	p2 =	por $0x1, $0x1  }
.LBB2_7:
0x57: {  	p4 =	seq.s32 s31, $0x0  }
0x58: {  	s26 =	sadd.s32 $0x500, s26;
	s31 =	smov.u32 s29;
	s29 =	sadd.s32 $0x1, s29  }
0x59: {  	p3 =	sne.s32 s4, s29;
	s17 =	simm.s32 @p4 $0x3;
	s19 =	simm.s32 @!p4 $0x6D00  }
0x5a: {  	[spmem:s2] =	stream.indirect.scatter.add.f32 @!p1 [tilespmem:s28], [sflag:$0x3], $0x1, s25, s0, $0xb8;
	[tilespmem:$0x7DA0] =	vst v63  }
0x5b: {  	s28 =	smov.u32 s19;
	s25 =	smov.u32 s30;
	_ =	swait.ge @p4 [sflag:s17], $0x2800  }
0x5c: {  	p1 =	por p4, p4;
	[sflag:s17] =	ssyncset.done @p4 $0x0  }
0x5d: {  	[sflag:s17] =	ssyncadd.s32 @p1 $0xFFFFD800  }
0x5e: {  	_ =	swait.ge @p1 [sflag:s17], $0x50  }
0x5f: {  	s0 =	simm.s32 @p1 $0x2;
	[sflag:s17] =	ssyncset.done @p1 $0x0  }
0x60: {  	s19 =	simm.s32 @p1 $0xC80;
	[sflag:s17] =	ssyncadd.s32 @p1 $0xFFFFFFB0;
	s17 =	simm.s32 @p1 $0x0  }
0x61: {  	[tilespmem:s19], [sflag:$0x1] =	stream.linear.gather @p1 [hbm4b:s26+s17], $0x2800, $0x38;
	[tilespmem:$0x7DA0] =	vst v63  }
0x62: {  	_ =	swait.ge @p1 [sflag:s0], $0x2800  }
0x63: {  	[sflag:s0] =	ssyncset.done @p1 $0x0  }
0x64: {  	s17 =	simm.s32 @p1 $0x3480;
	[sflag:s0] =	ssyncadd.s32 @p1 $0xFFFFD800;
	s0 =	simm.s32 @p1 $0x50  }
0x65: {  	[spmem:s1] =	stream.indirect.scatter.add.f32 @p1 [tilespmem:s17], [sflag:$0x4], $0x80, s30, s0, $0xb8;
	[tilespmem:$0x7DA0] =	vst v63  }
0x66: {  	s19 =	simm.s32 @!p1 $0x4;
	s17 =	simm.s32 @p1 $0x6D00  }
0x67: {  	[spmem:s2] =	stream.indirect.scatter.add.f32 @p1 [tilespmem:s17], [sflag:$0x4], $0x1, s30, s0, $0xb8;
	[tilespmem:$0x7DA0] =	vst v63  }
0x68: {  	_ =	swait.ge @!p1 [sflag:s19], $0x2800  }
0x69: {  	[sflag:s19] =	ssyncset.done @!p1 $0x0  }
0x6a: {  	[sflag:s19] =	ssyncadd.s32 @!p1 $0xFFFFD800  }
0x6b: {  	_ =	swait.ge @!p1 [sflag:s19], $0x50  }
0x6c: {  	s0 =	simm.s32 @!p1 $0x1;
	[sflag:s19] =	ssyncset.done @!p1 $0x0  }
0x6d: {  	s17 =	simm.s32 @!p1 $0x0;
	[sflag:s19] =	ssyncadd.s32 @!p1 $0xFFFFFFB0;
	s19 =	simm.s32 @!p1 $0x3480  }
0x6e: {  	[tilespmem:s19], [sflag:$0x2] =	stream.linear.gather @!p1 [hbm4b:s26+s17], $0x2800, $0x38;
	[tilespmem:$0x7DA0] =	vst v63  }
.Ltmp3:
0x6f: {  	_ = 	snop;
	(pc) =	sbr.rel @p3 .LBB2_7-.Ltmp3, $4  }
0x70: {  	_ =	swait.ge @!p1 [sflag:s0], $0x2800  }
0x71: {  	s31 =	sand.u32 $0x1, s31;
	s30 =	sadd.s32 $0x50, s30;
	[sflag:s0] =	ssyncset.done @!p1 $0x0  }
0x72: {  	s17 =	simm.s32 @!p1 $0xC80;
	[sflag:s0] =	ssyncadd.s32 @!p1 $0xFFFFD800;
	s0 =	simm.s32 @!p1 $0x50  }
0x73: {  	[spmem:s1] =	stream.indirect.scatter.add.f32 @!p1 [tilespmem:s17], [sflag:$0x3], $0x80, s25, s0, $0xb8;
	[tilespmem:$0x7DA0] =	vst v63  }
0x74: {  	s29 =	smov.u32 s25;
	s25 =	smov.u32 s30  }
.LBB2_9:
0x75: {  	p3 =	seq.s32 s31, $0x0  }
0x76: {  	p1 =	por p1, !p2;
	s17 =	simm.s32 @p3 $0x3  }
0x77: {  	[spmem:s2] =	stream.indirect.scatter.add.f32 @!p1 [tilespmem:s28], [sflag:$0x3], $0x1, s29, s0, $0xb8;
	[tilespmem:$0x7DA0] =	vst v63  }
0x78: {  	_ =	swait.ge @p3 [sflag:s17], $0x2800  }
0x79: {  	p1 =	por p3, p3;
	[sflag:s17] =	ssyncset.done @p3 $0x0  }
0x7a: {  	[sflag:s17] =	ssyncadd.s32 @p1 $0xFFFFD800  }
0x7b: {  	_ =	swait.ge @p1 [sflag:s17], $0x50  }
0x7c: {  	s0 =	sadd.s32 @p2 $0x500, s26;
	[sflag:s17] =	ssyncset.done @p1 $0x0  }
0x7d: {  	s19 =	simm.s32 @p1 $0x2;
	[sflag:s17] =	ssyncadd.s32 @p1 $0xFFFFFFB0;
	s17 =	smov.u32 s15  }
0x7e: {  	s26 =	simm.s32 @p1 $0x0;
	s28 =	simm.s32 @p1 $0xC80;
	s17 =	smov.u32 @p2 s0  }
0x7f: {  	[tilespmem:s28], [sflag:$0x1] =	stream.linear.gather @p1 [hbm4b:s17+s26], $0x2800, $0x38;
	[tilespmem:$0x7DA0] =	vst v63  }
0x80: {  	_ =	swait.ge @p1 [sflag:s19], $0x2800  }
0x81: {  	[sflag:s19] =	ssyncset.done @p1 $0x0  }
0x82: {  	s0 =	simm.s32 @p1 $0x50;
	[sflag:s19] =	ssyncadd.s32 @p1 $0xFFFFD800;
	s19 =	simm.s32 @p1 $0x3480  }
0x83: {  	[spmem:s1] =	stream.indirect.scatter.add.f32 @p1 [tilespmem:s19], [sflag:$0x4], $0x80, s25, s0, $0xb8;
	[tilespmem:$0x7DA0] =	vst v63  }
0x84: {  	s26 =	simm.s32 @!p1 $0x4;
	s19 =	simm.s32 @p1 $0x6D00  }
0x85: {  	[spmem:s2] =	stream.indirect.scatter.add.f32 @p1 [tilespmem:s19], [sflag:$0x4], $0x1, s25, s0, $0xb8;
	[tilespmem:$0x7DA0] =	vst v63  }
0x86: {  	_ =	swait.ge @!p1 [sflag:s26], $0x2800  }
0x87: {  	[sflag:s26] =	ssyncset.done @!p1 $0x0  }
0x88: {  	[sflag:s26] =	ssyncadd.s32 @!p1 $0xFFFFD800  }
0x89: {  	_ =	swait.ge @!p1 [sflag:s26], $0x50  }
0x8a: {  	s0 =	simm.s32 @!p1 $0x1;
	[sflag:s26] =	ssyncset.done @!p1 $0x0  }
0x8b: {  	s19 =	simm.s32 @!p1 $0x0;
	[sflag:s26] =	ssyncadd.s32 @!p1 $0xFFFFFFB0;
	s26 =	simm.s32 @!p1 $0x3480  }
0x8c: {  	[tilespmem:s26], [sflag:$0x2] =	stream.linear.gather @!p1 [hbm4b:s17+s19], $0x2800, $0x38;
	[tilespmem:$0x7DA0] =	vst v63  }
0x8d: {  	_ =	swait.ge @!p1 [sflag:s0], $0x2800  }
0x8e: {  	[sflag:s0] =	ssyncset.done @!p1 $0x0  }
0x8f: {  	s17 =	simm.s32 @!p1 $0xC80;
	[sflag:s0] =	ssyncadd.s32 @!p1 $0xFFFFD800;
	s0 =	simm.s32 @!p1 $0x50  }
0x90: {  	[spmem:s1] =	stream.indirect.scatter.add.f32 @!p1 [tilespmem:s17], [sflag:$0x3], $0x80, s25, s0, $0xb8;
	[tilespmem:$0x7DA0] =	vst v63  }
0x91: {  	s17 =	simm.s32 @!p3 $0x6D00  }
0x92: {  	[spmem:s2] =	stream.indirect.scatter.add.f32 @!p1 [tilespmem:s17], [sflag:$0x3], $0x1, s25, s0, $0xb8;
	[tilespmem:$0x7DA0] =	vst v63  }
0x93: {  	p1 =	seq.s32 s31, $0x1  }
0x94: {  	s0 =	simm.s32 @p1 $0x2  }
0x95: {  	_ =	swait.ge @p1 [sflag:s0], $0x2800  }
0x96: {  	s17 =	sadd.s32 $0x50, s25;
	[sflag:s0] =	ssyncset.done @p1 $0x0  }
0x97: {  	s19 =	simm.s32 @p1 $0x3480;
	[sflag:s0] =	ssyncadd.s32 @p1 $0xFFFFD800;
	s0 =	simm.s32 @p1 $0x50  }
0x98: {  	[spmem:s1] =	stream.indirect.scatter.add.f32 @p1 [tilespmem:s19], [sflag:$0x4], $0x80, s17, s0, $0xb8;
	[tilespmem:$0x7DA0] =	vst v63  }
0x99: {  	s19 =	simm.s32 @p1 $0x6D00  }
0x9a: {  	[spmem:s2] =	stream.indirect.scatter.add.f32 @p1 [tilespmem:s19], [sflag:$0x4], $0x1, s17, s0, $0xb8;
	[tilespmem:$0x7DA0] =	vst v63  }
0x9b: {  	s0 =	simm.s32 @!p1 $0x1  }
0x9c: {  	_ =	swait.ge @!p1 [sflag:s0], $0x2800  }
0x9d: {  	[sflag:s0] =	ssyncset.done @!p1 $0x0  }
0x9e: {  	s19 =	simm.s32 @!p1 $0xC80;
	[sflag:s0] =	ssyncadd.s32 @!p1 $0xFFFFD800;
	s0 =	simm.s32 @!p1 $0x50  }
0x9f: {  	[spmem:s1] =	stream.indirect.scatter.add.f32 @!p1 [tilespmem:s19], [sflag:$0x3], $0x80, s17, s0, $0xb8;
	[tilespmem:$0x7DA0] =	vst v63  }
0xa0: {  	s19 =	simm.s32 @!p1 $0x6D00  }
0xa1: {  	[spmem:s2] =	stream.indirect.scatter.add.f32 @!p1 [tilespmem:s19], [sflag:$0x3], $0x1, s17, s0, $0xb8;
	[tilespmem:$0x7DA0] =	vst v63  }
0xa2: {  	_ =	swait.ge [sflag:s13], $0x2800  }
0xa3: {  	[sflag:s13] =	ssyncset.done $0x0  }
0xa4: {  	[sflag:s13] =	ssyncadd.s32 $0xFFFFD800  }
0xa5: {  	_ =	swait.ge [sflag:s13], $0x50  }
0xa6: {  	[sflag:s13] =	ssyncset.done $0x0  }
0xa7: {  	[sflag:s13] =	ssyncadd.s32 $0xFFFFFFB0  }
0xa8: {  	_ =	swait.ge [sflag:s14], $0x2800  }
0xa9: {  	[sflag:s14] =	ssyncset.done $0x0  }
0xaa: {  	[sflag:s14] =	ssyncadd.s32 $0xFFFFD800  }
0xab: {  	_ =	swait.ge [sflag:s14], $0x50  }
0xac: {  	[sflag:s14] =	ssyncset.done $0x0  }
0xad: {  	[sflag:s14] =	ssyncadd.s32 $0xFFFFFFB0  }
0xae: {  	s0 =	sshrl.u32 @!p0 s1, $0x3;
	s17 =	simm.s32 @!p0 $0x1C06;
	[bflag:$0x0] =	sbarrier.arrive $0xFFFF  }
0xaf: {  	[hbm:s9], [sflag:s17] =	dma.local @!p0 [spmem:s0], $0x2000  }
0xb0: {  	s0 =	simm.s32 @!p0 $0x6  }
0xb1: {  	_ =	swait.ge @!p0 [sflag:s0], $0x2000  }
0xb2: {  	s24 =	sadd.s32 $0x1, s24;
	[sflag:s0] =	ssyncset.done @!p0 $0x0  }
0xb3: {  	s19 =	sshrl.u32 @!p0 s2, $0x3;
	p1 =	sne.s32 s24, s11;
	[sflag:s0] =	ssyncadd.s32 @!p0 $0xFFFFE000  }
0xb4: {  	[hbm:s10], [sflag:s17] =	dma.local @!p0 [spmem:s19], $0x40  }
.Ltmp4:
0xb5: {  	_ = 	snop;
	(pc) =	sbr.rel @p1 .LBB2_1-.Ltmp4, $4  }
.Ltmp5:
0xb6: {  	_ = 	snop;
	(pc) =	sbr.rel @!p1 .LBB2_10-.Ltmp5, $4  }
0xb7: {  	_ =	swait.ge @!p0 [sflag:s0], $0x40  }
0xb8: {  	[sflag:s0] =	ssyncset.done @!p0 $0x0  }
0xb9: {  	[sflag:s0] =	ssyncadd.s32 @!p0 $0xFFFFFFC0  }
0xba: {  	_ = 	snop  }
.LBB2_4:
.Ltmp6:
0xbb: {  	(pc) =	sbr.rel .LBB2_9-.Ltmp6, $2  }
0xbc: {  	_ =	sdelay $0x2  }
0xbd: {  	s26 =	smov.u32 s15  }
.LBB2_6:
.Ltmp7:
0xbe: {  	(pc) =	sbr.rel .LBB2_9-.Ltmp7, $2  }
0xbf: {  	_ =	sdelay $0x2  }
0xc0: {  	s26 =	smov.u32 s15;
	s29 =	simm.s32 $0x50;
	s25 =	simm.s32 $0xA0  }
.LBB2_10:
0xc1: {  	_ =	sfence.sel $0x180000  }
0xc2: {  	[bflag:$0x0] =	sbarrier.arrive $0xFFFF  }
0xc3: {  	_ =	strace $0x90000047  }
0xc4: {  	[bflag:$0x2] =	sbarrier.arrive $0xFFFF  }
0xc5: {  	s0 =	rddreg [dreg:$0x5]  }
0xc6: {  	s0 =	sadd.s32 @!p0 $0x100000, s0  }
0xc7: {  	[sflag:s0] =	ssyncadd.tile.s32 @!p0 $0x1;
	_ =	shalt  }
.Lfunc_end2:
_tile_overlayer_lowered:
.L_overlay_start_2:
0xc8: {  	(tag) =	ssettag $0x2  }
0xc9: {  	s0 =	rddreg [dreg:$0x0];
	s2 =	stileid.u32  }
0xca: {  	s1 =	rddreg [dreg:$0x1];
	p0 =	sne.s32 s2, $0x0  }
0xcb: {  	s3 =	rddreg [dreg:$0x2];
	[bflag:$0x3] =	sbarrier.arrive $0xFFFF;
	s2 =	simm.s32 @!p0 $0x1C06  }
0xcc: {  	[timem:s3], [sflag:s2] =	dma.local @!p0 [hbm:s0], s1  }
0xcd: {  	s0 =	simm.s32 @!p0 $0x6  }
0xce: {  	_ =	swait.ge @!p0 [sflag:s0], s1  }
0xcf: {  	s1 =	ssub.s32 @!p0 $0x0, s1;
	[sflag:s0] =	ssyncset.done @!p0 $0x0  }
0xd0: {  	[sflag:s0] =	ssyncadd.s32 @!p0 s1  }
0xd1: {  	[bflag:$0x3] =	sbarrier.arrive $0xFFFF  }
0xd2: {  	_ =	shalt  }

</sc_bundles>
